<compile_context>
chip_gen: v7x
topology: tpu7x:2x2x1
jax: 0.10.2.dev20260603
libtpu: 0.0.44.dev20260713+nightly
codegen_flags: <defaults>
</compile_context>

<pallas_src>
import functools

import jax
import jax.numpy as jnp
from jax import lax
from jax.experimental import pallas as pl
from jax.experimental.pallas import tpu as pltpu
from jax.experimental.pallas import tpu_sc as plsc

N = 10000
E = 160000
D = 256
H = D // 2
NC = 2
NS = 16
L = 16

K = 80
CH = 125
ET = CH * K

DEG_K = 80
DEG_TILE = 64 * DEG_K
E_PAD = 32 * DEG_TILE
NPAD = 10112
PROWS = NPAD // NS


@functools.cache
def _mesh():
    return plsc.VectorSubcoreMesh(
        core_axis_name="c", subcore_axis_name="s", num_cores=NC, num_subcores=NS
    )


def _sc_degree_body(dst_hbm, out_hbm, idx_v, ones_v, zero_v, acc):
    c = lax.axis_index("c")
    s = lax.axis_index("s")
    wid = s * NC + c

    def fill_ones(i, _):
        for q in range(H // L):
            ones_v[i, pl.ds(q * L, L)] = jnp.full((L,), 1.0, jnp.float32)
        return 0

    lax.fori_loop(0, DEG_K, fill_ones, 0)

    def fill_zero(i, _):
        for q in range(H // L):
            zero_v[i, pl.ds(q * L, L)] = jnp.zeros((L,), jnp.float32)
        return 0

    lax.fori_loop(0, PROWS // 8, fill_zero, 0)

    def zero_acc(i, _):
        pltpu.sync_copy(zero_v, acc.at[pl.ds(s * PROWS + i * (PROWS // 8), PROWS // 8)])
        return 0

    lax.fori_loop(0, 8, zero_acc, 0)
    pltpu.sync_copy(dst_hbm.at[wid], idx_v)
    plsc.subcore_barrier()

    def body(j, _):
        pltpu.sync_copy(ones_v, acc.at[idx_v.at[j]], add=True)
        return 0

    lax.fori_loop(0, 64, body, 0)
    plsc.subcore_barrier()
    pltpu.sync_copy(
        acc.at[pl.ds(s * PROWS, PROWS)],
        out_hbm.at[pl.ds(c * NPAD + s * PROWS, PROWS)],
    )


@functools.cache
def _sc_degree():
    return pl.kernel(
        _sc_degree_body,
        out_type=jax.ShapeDtypeStruct((NC * NPAD, H), jnp.float32),
        mesh=_mesh(),
        scratch_types=[
            pltpu.VMEM((64, DEG_K), jnp.int32),
            pltpu.VMEM((DEG_K, H), jnp.float32),
            pltpu.VMEM((PROWS // 8, H), jnp.float32),
            pltpu.VMEM_SHARED((NPAD, H), jnp.float32),
        ],
    )


def _sc_aggregate_body(z_hbm, src_hbm, dst_hbm, out_hbm,
                       src_v, dst_v, rows_v, zero_v, acc):
    c = lax.axis_index("c")
    s = lax.axis_index("s")

    def fill_zero(i, _):
        for q in range(H // L):
            zero_v[i, pl.ds(q * L, L)] = jnp.zeros((L,), jnp.float32)
        return 0

    lax.fori_loop(0, 8, fill_zero, 0)

    def zero_acc(i, _):
        pltpu.sync_copy(zero_v, acc.at[pl.ds(s * PROWS + i * 8, 8)])
        return 0

    lax.fori_loop(0, PROWS // 8, zero_acc, 0)

    pltpu.sync_copy(src_hbm.at[s], src_v)
    pltpu.sync_copy(dst_hbm.at[s], dst_v)
    off = jnp.full((L,), c * N, jnp.int32)

    def add_off(j, _):
        for q in range(K // L):
            src_v[j, pl.ds(q * L, L)] = src_v[j, pl.ds(q * L, L)] + off
        return 0

    lax.fori_loop(0, CH, add_off, 0)
    plsc.subcore_barrier()

    def body(j, _):
        pltpu.sync_copy(z_hbm.at[src_v.at[j]], rows_v)
        pltpu.sync_copy(rows_v, acc.at[dst_v.at[j]], add=True)
        return 0

    lax.fori_loop(0, CH, body, 0)
    plsc.subcore_barrier()
    pltpu.sync_copy(
        acc.at[pl.ds(s * PROWS, PROWS)],
        out_hbm.at[pl.ds(c * NPAD + s * PROWS, PROWS)],
    )


@functools.cache
def _sc_aggregate():
    return pl.kernel(
        _sc_aggregate_body,
        out_type=jax.ShapeDtypeStruct((NC * NPAD, H), jnp.float32),
        mesh=_mesh(),
        scratch_types=[
            pltpu.VMEM((CH, K), jnp.int32),
            pltpu.VMEM((CH, K), jnp.int32),
            pltpu.VMEM((K, H), jnp.float32),
            pltpu.VMEM((8, H), jnp.float32),
            pltpu.VMEM_SHARED((NPAD, H), jnp.float32),
        ],
    )


R = 1000


def _dinv_of(degp):
    deg = degp[0, :, :1] + degp[1, :, :1] + 1.0
    return lax.rsqrt(deg)


def _tc_first_body(x_ref, w_ref, degp_ref, z_ref):
    dinv = _dinv_of(degp_ref[...])
    xw = jnp.dot(x_ref[...], w_ref[...], preferred_element_type=jnp.float32)
    z = xw * dinv
    z_ref[0] = z[:, :H]
    z_ref[1] = z[:, H:]


def _tc_mid_body(s_ref, z_ref, degp_ref, b_ref, w_ref, out_ref):
    dinv = _dinv_of(degp_ref[...])
    t = s_ref[...] + z_ref[...]
    h = jnp.concatenate([t[0], t[1]], axis=1) * dinv + b_ref[...]
    h = jnp.maximum(h, 0.0)
    y = jnp.dot(h, w_ref[...], preferred_element_type=jnp.float32) * dinv
    out_ref[0] = y[:, :H]
    out_ref[1] = y[:, H:]


def _tc_out_body(s_ref, z_ref, degp_ref, b_ref, out_ref):
    dinv = _dinv_of(degp_ref[...])
    t = s_ref[...] + z_ref[...]
    out_ref[...] = jnp.concatenate([t[0], t[1]], axis=1) * dinv + b_ref[...]


_spec_rows = pl.BlockSpec((R, D), lambda i: (i, 0))
_spec_w = pl.BlockSpec((D, D), lambda i: (0, 0))
_spec_b = pl.BlockSpec((1, D), lambda i: (0, 0))
_spec_degp = pl.BlockSpec((2, R, H), lambda i: (0, i, 0))
_spec_half = pl.BlockSpec((2, R, H), lambda i: (0, i, 0))


def _tc_first(x, W1, degp):
    return pl.pallas_call(
        _tc_first_body,
        grid=(N // R,),
        in_specs=[_spec_rows, _spec_w, _spec_degp],
        out_specs=_spec_half,
        out_shape=jax.ShapeDtypeStruct((2, N, H), jnp.float32),
    )(x, W1, degp)


def _tc_mid(S, z, degp, b, W2):
    return pl.pallas_call(
        _tc_mid_body,
        grid=(N // R,),
        in_specs=[_spec_half, _spec_half, _spec_degp, _spec_b, _spec_w],
        out_specs=_spec_half,
        out_shape=jax.ShapeDtypeStruct((2, N, H), jnp.float32),
    )(S, z, degp, b, W2)


def _tc_out(S, z, degp, b):
    return pl.pallas_call(
        _tc_out_body,
        grid=(N // R,),
        in_specs=[_spec_half, _spec_half, _spec_degp, _spec_b],
        out_specs=_spec_rows,
        out_shape=jax.ShapeDtypeStruct((N, D), jnp.float32),
    )(S, z, degp, b)


def kernel(x, edge_index, W1, b1, W2, b2):
    src3 = edge_index[0].reshape(NS, CH, K)
    dst3 = edge_index[1].reshape(NS, CH, K)
    dstpad = jnp.concatenate(
        [edge_index[1], jnp.full((E_PAD - E,), N, jnp.int32)]
    ).reshape(32, 64, DEG_K)

    deg_raw = _sc_degree()(dstpad)
    degp = deg_raw.reshape(NC, NPAD, H)

    b1r = b1.reshape(1, D)
    b2r = b2.reshape(1, D)

    z1 = _tc_first(x, W1, degp)
    S1 = _sc_aggregate()(z1.reshape(NC * N, H), src3, dst3)
    z2 = _tc_mid(S1.reshape(NC, NPAD, H), z1, degp, b1r, W2)
    S2 = _sc_aggregate()(z2.reshape(NC * N, H), src3, dst3)
    return _tc_out(S2.reshape(NC, NPAD, H), z2, degp, b2r)

# --- scband reference (transcript-rebuilt; emitter-appended) ---
"""Pipeline reference for scband-gnn-19756849561997 (READ-ONLY COPY).

The authoritative reference and input builder live on the scoring server;
editing this copy changes nothing except your own understanding.
"""

import jax, jax.numpy as jnp
import numpy as np

N = 10000
E = 160000
D_IN = 256
D_HID = 256


def gcn_conv(x, edge_index, W, b):
    n = x.shape[0]
    src = edge_index[0]
    dst = edge_index[1]
    # add self loops (PyG GCNConv default)
    loop = jnp.arange(n, dtype=edge_index.dtype)
    src = jnp.concatenate([src, loop])
    dst = jnp.concatenate([dst, loop])
    # linear transform first (as in PyG)
    xw = x @ W
    # symmetric normalization D^-1/2 (A+I) D^-1/2
    ones = jnp.ones(dst.shape[0], dtype=x.dtype)
    deg = jax.ops.segment_sum(ones, dst, num_segments=n)
    dinv = jnp.where(deg > 0, deg ** -0.5, 0.0)
    norm = dinv[src] * dinv[dst]
    msg = xw[src] * norm[:, None]
    out = jax.ops.segment_sum(msg, dst, num_segments=n)
    return out + b


def setup_inputs(seed: int = 0) -> dict:
    key = jax.random.key(seed)
    k1, k2, k3, k4 = jax.random.split(key, 4)
    x = jax.random.normal(k1, (N, D_IN), dtype=jnp.float32)
    edge_index = jax.random.randint(k2, (2, E), 0, N, dtype=jnp.int32)
    W1 = jax.random.normal(k3, (D_IN, D_HID), dtype=jnp.float32) * (1.0 / np.sqrt(D_IN))
    b1 = jnp.zeros((D_HID,), dtype=jnp.float32)
    W2 = jax.random.normal(k4, (D_HID, D_HID), dtype=jnp.float32) * (1.0 / np.sqrt(D_HID))
    b2 = jnp.zeros((D_HID,), dtype=jnp.float32)
    return {"x": x, "edge_index": edge_index, "W1": W1, "b1": b1, "W2": W2, "b2": b2}


def reference(x, edge_index, W1, b1, W2, b2):
    h = gcn_conv(x, edge_index, W1, b1)
    h = jax.nn.relu(h)
    out = gcn_conv(h, edge_index, W2, b2)
    return out

if __name__ == "__main__":
    import jax
    _d = setup_inputs()
    print(jax.jit(kernel)(*tuple(_d.values())))

</pallas_src>

<mosaic_0001>
#map = affine_map<(d0, d1) -> (0, 0, 0)>
#map1 = affine_map<(d0, d1) -> (0, 0)>
module attributes {stable_mosaic.version = 14 : i64} {
  func.func @_sc_degree_body(%arg0: i32, %arg1: i32, %arg2: memref<32x64x80xi32, #tpu.memory_space<hbm>>, %arg3: memref<20224x128xf32, #tpu.memory_space<hbm>>, %arg4: memref<64x80xi32, #tpu.memory_space<vmem>>, %arg5: memref<80x128xf32, #tpu.memory_space<vmem>>, %arg6: memref<79x128xf32, #tpu.memory_space<vmem>>, %arg7: memref<10112x128xf32, #tpu.memory_space<vmem_shared>>) attributes {dimension_semantics = [#tpu.dimension_semantics<core_parallel>, #tpu.dimension_semantics<subcore_parallel>], iteration_bounds = array<i64: 2, 16>, scalar_prefetch = 0 : i64, scratch_operands = 4 : i64, tpu.core_type = #tpu.core_type<sc_vector_subcore>, window_params = [{transform_indices = #map}, {transform_indices = #map1}]} {
    %mul3A = arith.constant 2 : i32
    %mul3A_0 = arith.muli %arg1, %mul3A : i32
    %add3A = arith.addi %mul3A_0, %arg0 : i32
    %scan3A = arith.constant 0 : i32
    %scan3A_1 = arith.constant 0 : i32
    %scan3A_2 = arith.constant 80 : i32
    %scan3A_3 = arith.addi %scan3A_1, %scan3A_2 : i32
    %scan3A_4 = arith.constant 1 : i32
    %scan3A_5 = scf.for %scan3A_36 = %scan3A_1 to %scan3A_3 step %scan3A_4 iter_args(%scan3A_37 = %scan3A) -> (i32)  : i32 {
      %broadcast_in_dim3A = arith.constant 1.000000e+00 : f32
      %broadcast_in_dim3A_38 = vector.broadcast %broadcast_in_dim3A : f32 to vector<16xf32>
      %swap3A = arith.index_cast %scan3A_36 : i32 to index
      %swap3A_39 = arith.constant 0 : index
      %swap3A_40 = tpu.vector_load %arg5[%swap3A, %swap3A_39] {strides = array<i32>} : memref<80x128xf32, #tpu.memory_space<vmem>>, vector<1x16xf32>,
      %swap3A_41 = vector.shape_cast %swap3A_40 : vector<1x16xf32> to vector<16xf32>
      %swap3A_42 = vector.shape_cast %broadcast_in_dim3A_38 : vector<16xf32> to vector<1x16xf32>
      tpu.vector_store %arg5[%swap3A, %swap3A_39], %swap3A_42 {strides = array<i32>} : memref<80x128xf32, #tpu.memory_space<vmem>>, vector<1x16xf32>,
      %broadcast_in_dim3A_43 = arith.constant 1.000000e+00 : f32
      %broadcast_in_dim3A_44 = vector.broadcast %broadcast_in_dim3A_43 : f32 to vector<16xf32>
      %swap3A_45 = arith.index_cast %scan3A_36 : i32 to index
      %swap3A_46 = arith.constant 16 : index
      %swap3A_47 = tpu.vector_load %arg5[%swap3A_45, %swap3A_46] {strides = array<i32>} : memref<80x128xf32, #tpu.memory_space<vmem>>, vector<1x16xf32>,
      %swap3A_48 = vector.shape_cast %swap3A_47 : vector<1x16xf32> to vector<16xf32>
      %swap3A_49 = vector.shape_cast %broadcast_in_dim3A_44 : vector<16xf32> to vector<1x16xf32>
      tpu.vector_store %arg5[%swap3A_45, %swap3A_46], %swap3A_49 {strides = array<i32>} : memref<80x128xf32, #tpu.memory_space<vmem>>, vector<1x16xf32>,
      %broadcast_in_dim3A_50 = arith.constant 1.000000e+00 : f32
      %broadcast_in_dim3A_51 = vector.broadcast %broadcast_in_dim3A_50 : f32 to vector<16xf32>
      %swap3A_52 = arith.index_cast %scan3A_36 : i32 to index
      %swap3A_53 = arith.constant 32 : index
      %swap3A_54 = tpu.vector_load %arg5[%swap3A_52, %swap3A_53] {strides = array<i32>} : memref<80x128xf32, #tpu.memory_space<vmem>>, vector<1x16xf32>,
      %swap3A_55 = vector.shape_cast %swap3A_54 : vector<1x16xf32> to vector<16xf32>
      %swap3A_56 = vector.shape_cast %broadcast_in_dim3A_51 : vector<16xf32> to vector<1x16xf32>
      tpu.vector_store %arg5[%swap3A_52, %swap3A_53], %swap3A_56 {strides = array<i32>} : memref<80x128xf32, #tpu.memory_space<vmem>>, vector<1x16xf32>,
      %broadcast_in_dim3A_57 = arith.constant 1.000000e+00 : f32
      %broadcast_in_dim3A_58 = vector.broadcast %broadcast_in_dim3A_57 : f32 to vector<16xf32>
      %swap3A_59 = arith.index_cast %scan3A_36 : i32 to index
      %swap3A_60 = arith.constant 48 : index
      %swap3A_61 = tpu.vector_load %arg5[%swap3A_59, %swap3A_60] {strides = array<i32>} : memref<80x128xf32, #tpu.memory_space<vmem>>, vector<1x16xf32>,
      %swap3A_62 = vector.shape_cast %swap3A_61 : vector<1x16xf32> to vector<16xf32>
      %swap3A_63 = vector.shape_cast %broadcast_in_dim3A_58 : vector<16xf32> to vector<1x16xf32>
      tpu.vector_store %arg5[%swap3A_59, %swap3A_60], %swap3A_63 {strides = array<i32>} : memref<80x128xf32, #tpu.memory_space<vmem>>, vector<1x16xf32>,
      %broadcast_in_dim3A_64 = arith.constant 1.000000e+00 : f32
      %broadcast_in_dim3A_65 = vector.broadcast %broadcast_in_dim3A_64 : f32 to vector<16xf32>
      %swap3A_66 = arith.index_cast %scan3A_36 : i32 to index
      %swap3A_67 = arith.constant 64 : index
      %swap3A_68 = tpu.vector_load %arg5[%swap3A_66, %swap3A_67] {strides = array<i32>} : memref<80x128xf32, #tpu.memory_space<vmem>>, vector<1x16xf32>,
      %swap3A_69 = vector.shape_cast %swap3A_68 : vector<1x16xf32> to vector<16xf32>
      %swap3A_70 = vector.shape_cast %broadcast_in_dim3A_65 : vector<16xf32> to vector<1x16xf32>
      tpu.vector_store %arg5[%swap3A_66, %swap3A_67], %swap3A_70 {strides = array<i32>} : memref<80x128xf32, #tpu.memory_space<vmem>>, vector<1x16xf32>,
      %broadcast_in_dim3A_71 = arith.constant 1.000000e+00 : f32
      %broadcast_in_dim3A_72 = vector.broadcast %broadcast_in_dim3A_71 : f32 to vector<16xf32>
      %swap3A_73 = arith.index_cast %scan3A_36 : i32 to index
      %swap3A_74 = arith.constant 80 : index
      %swap3A_75 = tpu.vector_load %arg5[%swap3A_73, %swap3A_74] {strides = array<i32>} : memref<80x128xf32, #tpu.memory_space<vmem>>, vector<1x16xf32>,
      %swap3A_76 = vector.shape_cast %swap3A_75 : vector<1x16xf32> to vector<16xf32>
      %swap3A_77 = vector.shape_cast %broadcast_in_dim3A_72 : vector<16xf32> to vector<1x16xf32>
      tpu.vector_store %arg5[%swap3A_73, %swap3A_74], %swap3A_77 {strides = array<i32>} : memref<80x128xf32, #tpu.memory_space<vmem>>, vector<1x16xf32>,
      %broadcast_in_dim3A_78 = arith.constant 1.000000e+00 : f32
      %broadcast_in_dim3A_79 = vector.broadcast %broadcast_in_dim3A_78 : f32 to vector<16xf32>
      %swap3A_80 = arith.index_cast %scan3A_36 : i32 to index
      %swap3A_81 = arith.constant 96 : index
      %swap3A_82 = tpu.vector_load %arg5[%swap3A_80, %swap3A_81] {strides = array<i32>} : memref<80x128xf32, #tpu.memory_space<vmem>>, vector<1x16xf32>,
      %swap3A_83 = vector.shape_cast %swap3A_82 : vector<1x16xf32> to vector<16xf32>
      %swap3A_84 = vector.shape_cast %broadcast_in_dim3A_79 : vector<16xf32> to vector<1x16xf32>
      tpu.vector_store %arg5[%swap3A_80, %swap3A_81], %swap3A_84 {strides = array<i32>} : memref<80x128xf32, #tpu.memory_space<vmem>>, vector<1x16xf32>,
      %broadcast_in_dim3A_85 = arith.constant 1.000000e+00 : f32
      %broadcast_in_dim3A_86 = vector.broadcast %broadcast_in_dim3A_85 : f32 to vector<16xf32>
      %swap3A_87 = arith.index_cast %scan3A_36 : i32 to index
      %swap3A_88 = arith.constant 112 : index
      %swap3A_89 = tpu.vector_load %arg5[%swap3A_87, %swap3A_88] {strides = array<i32>} : memref<80x128xf32, #tpu.memory_space<vmem>>, vector<1x16xf32>,
      %swap3A_90 = vector.shape_cast %swap3A_89 : vector<1x16xf32> to vector<16xf32>
      %swap3A_91 = vector.shape_cast %broadcast_in_dim3A_86 : vector<16xf32> to vector<1x16xf32>
      tpu.vector_store %arg5[%swap3A_87, %swap3A_88], %swap3A_91 {strides = array<i32>} : memref<80x128xf32, #tpu.memory_space<vmem>>, vector<1x16xf32>,
      %scan3A_92 = arith.constant 0 : i32
      scf.yield %scan3A_92 : i32
    }
    %scan3A_6 = arith.constant 80 : i32
    %scan3A_7 = arith.constant 0 : i32
    %scan3A_8 = arith.constant 0 : i32
    %scan3A_9 = arith.constant 79 : i32
    %scan3A_10 = arith.addi %scan3A_8, %scan3A_9 : i32
    %scan3A_11 = arith.constant 1 : i32
    %scan3A_12 = scf.for %scan3A_36 = %scan3A_8 to %scan3A_10 step %scan3A_11 iter_args(%scan3A_37 = %scan3A_7) -> (i32)  : i32 {
      %broadcast_in_dim3A = arith.constant 0.000000e+00 : f32
      %broadcast_in_dim3A_38 = vector.broadcast %broadcast_in_dim3A : f32 to vector<16xf32>
      %swap3A = arith.index_cast %scan3A_36 : i32 to index
      %swap3A_39 = arith.constant 0 : index
      %swap3A_40 = tpu.vector_load %arg6[%swap3A, %swap3A_39] {strides = array<i32>} : memref<79x128xf32, #tpu.memory_space<vmem>>, vector<1x16xf32>,
      %swap3A_41 = vector.shape_cast %swap3A_40 : vector<1x16xf32> to vector<16xf32>
      %swap3A_42 = vector.shape_cast %broadcast_in_dim3A_38 : vector<16xf32> to vector<1x16xf32>
      tpu.vector_store %arg6[%swap3A, %swap3A_39], %swap3A_42 {strides = array<i32>} : memref<79x128xf32, #tpu.memory_space<vmem>>, vector<1x16xf32>,
      %broadcast_in_dim3A_43 = arith.constant 0.000000e+00 : f32
      %broadcast_in_dim3A_44 = vector.broadcast %broadcast_in_dim3A_43 : f32 to vector<16xf32>
      %swap3A_45 = arith.index_cast %scan3A_36 : i32 to index
      %swap3A_46 = arith.constant 16 : index
      %swap3A_47 = tpu.vector_load %arg6[%swap3A_45, %swap3A_46] {strides = array<i32>} : memref<79x128xf32, #tpu.memory_space<vmem>>, vector<1x16xf32>,
      %swap3A_48 = vector.shape_cast %swap3A_47 : vector<1x16xf32> to vector<16xf32>
      %swap3A_49 = vector.shape_cast %broadcast_in_dim3A_44 : vector<16xf32> to vector<1x16xf32>
      tpu.vector_store %arg6[%swap3A_45, %swap3A_46], %swap3A_49 {strides = array<i32>} : memref<79x128xf32, #tpu.memory_space<vmem>>, vector<1x16xf32>,
      %broadcast_in_dim3A_50 = arith.constant 0.000000e+00 : f32
      %broadcast_in_dim3A_51 = vector.broadcast %broadcast_in_dim3A_50 : f32 to vector<16xf32>
      %swap3A_52 = arith.index_cast %scan3A_36 : i32 to index
      %swap3A_53 = arith.constant 32 : index
      %swap3A_54 = tpu.vector_load %arg6[%swap3A_52, %swap3A_53] {strides = array<i32>} : memref<79x128xf32, #tpu.memory_space<vmem>>, vector<1x16xf32>,
      %swap3A_55 = vector.shape_cast %swap3A_54 : vector<1x16xf32> to vector<16xf32>
      %swap3A_56 = vector.shape_cast %broadcast_in_dim3A_51 : vector<16xf32> to vector<1x16xf32>
      tpu.vector_store %arg6[%swap3A_52, %swap3A_53], %swap3A_56 {strides = array<i32>} : memref<79x128xf32, #tpu.memory_space<vmem>>, vector<1x16xf32>,
      %broadcast_in_dim3A_57 = arith.constant 0.000000e+00 : f32
      %broadcast_in_dim3A_58 = vector.broadcast %broadcast_in_dim3A_57 : f32 to vector<16xf32>
      %swap3A_59 = arith.index_cast %scan3A_36 : i32 to index
      %swap3A_60 = arith.constant 48 : index
      %swap3A_61 = tpu.vector_load %arg6[%swap3A_59, %swap3A_60] {strides = array<i32>} : memref<79x128xf32, #tpu.memory_space<vmem>>, vector<1x16xf32>,
      %swap3A_62 = vector.shape_cast %swap3A_61 : vector<1x16xf32> to vector<16xf32>
      %swap3A_63 = vector.shape_cast %broadcast_in_dim3A_58 : vector<16xf32> to vector<1x16xf32>
      tpu.vector_store %arg6[%swap3A_59, %swap3A_60], %swap3A_63 {strides = array<i32>} : memref<79x128xf32, #tpu.memory_space<vmem>>, vector<1x16xf32>,
      %broadcast_in_dim3A_64 = arith.constant 0.000000e+00 : f32
      %broadcast_in_dim3A_65 = vector.broadcast %broadcast_in_dim3A_64 : f32 to vector<16xf32>
      %swap3A_66 = arith.index_cast %scan3A_36 : i32 to index
      %swap3A_67 = arith.constant 64 : index
      %swap3A_68 = tpu.vector_load %arg6[%swap3A_66, %swap3A_67] {strides = array<i32>} : memref<79x128xf32, #tpu.memory_space<vmem>>, vector<1x16xf32>,
      %swap3A_69 = vector.shape_cast %swap3A_68 : vector<1x16xf32> to vector<16xf32>
      %swap3A_70 = vector.shape_cast %broadcast_in_dim3A_65 : vector<16xf32> to vector<1x16xf32>
      tpu.vector_store %arg6[%swap3A_66, %swap3A_67], %swap3A_70 {strides = array<i32>} : memref<79x128xf32, #tpu.memory_space<vmem>>, vector<1x16xf32>,
      %broadcast_in_dim3A_71 = arith.constant 0.000000e+00 : f32
      %broadcast_in_dim3A_72 = vector.broadcast %broadcast_in_dim3A_71 : f32 to vector<16xf32>
      %swap3A_73 = arith.index_cast %scan3A_36 : i32 to index
      %swap3A_74 = arith.constant 80 : index
      %swap3A_75 = tpu.vector_load %arg6[%swap3A_73, %swap3A_74] {strides = array<i32>} : memref<79x128xf32, #tpu.memory_space<vmem>>, vector<1x16xf32>,
      %swap3A_76 = vector.shape_cast %swap3A_75 : vector<1x16xf32> to vector<16xf32>
      %swap3A_77 = vector.shape_cast %broadcast_in_dim3A_72 : vector<16xf32> to vector<1x16xf32>
      tpu.vector_store %arg6[%swap3A_73, %swap3A_74], %swap3A_77 {strides = array<i32>} : memref<79x128xf32, #tpu.memory_space<vmem>>, vector<1x16xf32>,
      %broadcast_in_dim3A_78 = arith.constant 0.000000e+00 : f32
      %broadcast_in_dim3A_79 = vector.broadcast %broadcast_in_dim3A_78 : f32 to vector<16xf32>
      %swap3A_80 = arith.index_cast %scan3A_36 : i32 to index
      %swap3A_81 = arith.constant 96 : index
      %swap3A_82 = tpu.vector_load %arg6[%swap3A_80, %swap3A_81] {strides = array<i32>} : memref<79x128xf32, #tpu.memory_space<vmem>>, vector<1x16xf32>,
      %swap3A_83 = vector.shape_cast %swap3A_82 : vector<1x16xf32> to vector<16xf32>
      %swap3A_84 = vector.shape_cast %broadcast_in_dim3A_79 : vector<16xf32> to vector<1x16xf32>
      tpu.vector_store %arg6[%swap3A_80, %swap3A_81], %swap3A_84 {strides = array<i32>} : memref<79x128xf32, #tpu.memory_space<vmem>>, vector<1x16xf32>,
      %broadcast_in_dim3A_85 = arith.constant 0.000000e+00 : f32
      %broadcast_in_dim3A_86 = vector.broadcast %broadcast_in_dim3A_85 : f32 to vector<16xf32>
      %swap3A_87 = arith.index_cast %scan3A_36 : i32 to index
      %swap3A_88 = arith.constant 112 : index
      %swap3A_89 = tpu.vector_load %arg6[%swap3A_87, %swap3A_88] {strides = array<i32>} : memref<79x128xf32, #tpu.memory_space<vmem>>, vector<1x16xf32>,
      %swap3A_90 = vector.shape_cast %swap3A_89 : vector<1x16xf32> to vector<16xf32>
      %swap3A_91 = vector.shape_cast %broadcast_in_dim3A_86 : vector<16xf32> to vector<1x16xf32>
      tpu.vector_store %arg6[%swap3A_87, %swap3A_88], %swap3A_91 {strides = array<i32>} : memref<79x128xf32, #tpu.memory_space<vmem>>, vector<1x16xf32>,
      %scan3A_92 = arith.constant 0 : i32
      scf.yield %scan3A_92 : i32
    }
    %scan3A_13 = arith.constant 79 : i32
    %scan3A_14 = arith.constant 0 : i32
    %scan3A_15 = arith.constant 0 : i32
    %scan3A_16 = arith.constant 8 : i32
    %scan3A_17 = arith.addi %scan3A_15, %scan3A_16 : i32
    %scan3A_18 = arith.constant 1 : i32
    %scan3A_19 = scf.for %scan3A_36 = %scan3A_15 to %scan3A_17 step %scan3A_18 iter_args(%scan3A_37 = %scan3A_14) -> (i32)  : i32 {
      %mul3A_38 = arith.constant 632 : i32
      %mul3A_39 = arith.muli %arg1, %mul3A_38 : i32
      %mul3A_40 = arith.constant 79 : i32
      %mul3A_41 = arith.muli %scan3A_36, %mul3A_40 : i32
      %add3A_42 = arith.addi %mul3A_39, %mul3A_41 : i32
      "tpu.region"() ({
        %run_scoped3A = tpu.sem_alloc : memref<!tpu.dma_semaphore, #tpu.memory_space<semaphore_mem>>
        %dma_start3A = arith.constant 0 : i32
        %dma_start3A_44 = tpu.memref_slice %arg7[%add3A_42, %dma_start3A] : memref<10112x128xf32, #tpu.memory_space<vmem_shared>> -> memref<79x128xf32, #tpu.memory_space<vmem_shared>>
        %dma_start3A_45 = arith.constant 0 : i32
        %dma_start3A_46 = tpu.memref_slice %arg7[%add3A_42, %dma_start3A_45] : memref<10112x128xf32, #tpu.memory_space<vmem_shared>> -> memref<79x128xf32, #tpu.memory_space<vmem_shared>>
        tpu.enqueue_dma source(%arg6 : memref<79x128xf32, #tpu.memory_space<vmem>>) target(%dma_start3A_46 : memref<79x128xf32, #tpu.memory_space<vmem_shared>>) target_semaphore(%run_scoped3A : memref<!tpu.dma_semaphore, #tpu.memory_space<semaphore_mem>>)
        %dma_wait3A = arith.constant 0 : i32
        %dma_wait3A_47 = tpu.memref_slice %arg7[%add3A_42, %dma_wait3A] : memref<10112x128xf32, #tpu.memory_space<vmem_shared>> -> memref<79x128xf32, #tpu.memory_space<vmem_shared>>
        %dma_wait3A_48 = arith.constant 0 : i32
        %dma_wait3A_49 = tpu.memref_slice %arg7[%add3A_42, %dma_wait3A_48] : memref<10112x128xf32, #tpu.memory_space<vmem_shared>> -> memref<79x128xf32, #tpu.memory_space<vmem_shared>>
        tpu.wait_dma2 semaphore(%run_scoped3A : memref<!tpu.dma_semaphore, #tpu.memory_space<semaphore_mem>>) src(%arg6 : memref<79x128xf32, #tpu.memory_space<vmem>>) dst(%dma_wait3A_49 : memref<79x128xf32, #tpu.memory_space<vmem_shared>>)
        tpu.yield
      }) : () -> ()
      %scan3A_43 = arith.constant 0 : i32
      scf.yield %scan3A_43 : i32
    }
    %scan3A_20 = arith.constant 8 : i32
    "tpu.region"() ({
      %run_scoped3A = tpu.sem_alloc : memref<!tpu.dma_semaphore, #tpu.memory_space<semaphore_mem>>
      %dma_start3A = arith.constant 0 : i32
      %dma_start3A_36 = arith.constant 0 : i32
      %dma_start3A_37 = tpu.memref_slice %arg2[%add3A, %dma_start3A, %dma_start3A_36] : memref<32x64x80xi32, #tpu.memory_space<hbm>> -> memref<1x64x80xi32, #tpu.memory_space<hbm>>
      %dma_start3A_38 = tpu.memref_squeeze %dma_start3A_37 : memref<1x64x80xi32, #tpu.memory_space<hbm>> -> memref<64x80xi32, #tpu.memory_space<hbm>>
      %dma_start3A_39 = arith.constant 0 : i32
      %dma_start3A_40 = arith.constant 0 : i32
      %dma_start3A_41 = tpu.memref_slice %arg2[%add3A, %dma_start3A_39, %dma_start3A_40] : memref<32x64x80xi32, #tpu.memory_space<hbm>> -> memref<1x64x80xi32, #tpu.memory_space<hbm>>
      %dma_start3A_42 = tpu.memref_squeeze %dma_start3A_41 : memref<1x64x80xi32, #tpu.memory_space<hbm>> -> memref<64x80xi32, #tpu.memory_space<hbm>>
      tpu.enqueue_dma source(%dma_start3A_42 : memref<64x80xi32, #tpu.memory_space<hbm>>) target(%arg4 : memref<64x80xi32, #tpu.memory_space<vmem>>) target_semaphore(%run_scoped3A : memref<!tpu.dma_semaphore, #tpu.memory_space<semaphore_mem>>)
      %dma_wait3A = arith.constant 0 : i32
      %dma_wait3A_43 = arith.constant 0 : i32
      %dma_wait3A_44 = tpu.memref_slice %arg2[%add3A, %dma_wait3A, %dma_wait3A_43] : memref<32x64x80xi32, #tpu.memory_space<hbm>> -> memref<1x64x80xi32, #tpu.memory_space<hbm>>
      %dma_wait3A_45 = tpu.memref_squeeze %dma_wait3A_44 : memref<1x64x80xi32, #tpu.memory_space<hbm>> -> memref<64x80xi32, #tpu.memory_space<hbm>>
      %dma_wait3A_46 = arith.constant 0 : i32
      %dma_wait3A_47 = arith.constant 0 : i32
      %dma_wait3A_48 = tpu.memref_slice %arg2[%add3A, %dma_wait3A_46, %dma_wait3A_47] : memref<32x64x80xi32, #tpu.memory_space<hbm>> -> memref<1x64x80xi32, #tpu.memory_space<hbm>>
      %dma_wait3A_49 = tpu.memref_squeeze %dma_wait3A_48 : memref<1x64x80xi32, #tpu.memory_space<hbm>> -> memref<64x80xi32, #tpu.memory_space<hbm>>
      tpu.wait_dma2 semaphore(%run_scoped3A : memref<!tpu.dma_semaphore, #tpu.memory_space<semaphore_mem>>) src(%dma_wait3A_49 : memref<64x80xi32, #tpu.memory_space<hbm>>) dst(%arg4 : memref<64x80xi32, #tpu.memory_space<vmem>>)
      tpu.yield
    }) : () -> ()
    %barrier3A = arith.constant 0 : index
    tpu.barrier barrier_id(%barrier3A)
    %scan3A_21 = arith.constant 0 : i32
    %scan3A_22 = arith.constant 0 : i32
    %scan3A_23 = arith.constant 64 : i32
    %scan3A_24 = arith.addi %scan3A_22, %scan3A_23 : i32
    %scan3A_25 = arith.constant 1 : i32
    %scan3A_26 = scf.for %scan3A_36 = %scan3A_22 to %scan3A_24 step %scan3A_25 iter_args(%scan3A_37 = %scan3A_21) -> (i32)  : i32 {
      "tpu.region"() ({
        %run_scoped3A = tpu.sem_alloc : memref<!tpu.dma_semaphore, #tpu.memory_space<semaphore_mem>>
        %dma_start3A = arith.constant 0 : i32
        %dma_start3A_39 = tpu.memref_slice %arg4[%scan3A_36, %dma_start3A] : memref<64x80xi32, #tpu.memory_space<vmem>> -> memref<1x80xi32, #tpu.memory_space<vmem>>
        %dma_start3A_40 = tpu.memref_squeeze %dma_start3A_39 : memref<1x80xi32, #tpu.memory_space<vmem>> -> memref<80xi32, #tpu.memory_space<vmem>>
        %dma_start3A_41 = arith.constant 0 : i32
        %dma_start3A_42 = arith.constant 0 : i32
        %dma_start3A_43 = tpu.memref_slice %arg7[%dma_start3A_41, %dma_start3A_42] : memref<10112x128xf32, #tpu.memory_space<vmem_shared>> -> memref<10112x128xf32, #tpu.memory_space<vmem_shared>>
        tpu.enqueue_indirect_dma source(%arg5 : memref<80x128xf32, #tpu.memory_space<vmem>>) target(%dma_start3A_43 : memref<10112x128xf32, #tpu.memory_space<vmem_shared>>) offsets(%dma_start3A_40 : memref<80xi32, #tpu.memory_space<vmem>>) semaphore(%run_scoped3A : memref<!tpu.dma_semaphore, #tpu.memory_space<semaphore_mem>>) {add = true}
        %dma_wait3A = arith.constant 0 : i32
        %dma_wait3A_44 = tpu.memref_slice %arg4[%scan3A_36, %dma_wait3A] : memref<64x80xi32, #tpu.memory_space<vmem>> -> memref<1x80xi32, #tpu.memory_space<vmem>>
        %dma_wait3A_45 = tpu.memref_squeeze %dma_wait3A_44 : memref<1x80xi32, #tpu.memory_space<vmem>> -> memref<80xi32, #tpu.memory_space<vmem>>
        %dma_wait3A_46 = arith.constant 0 : i32
        %dma_wait3A_47 = arith.constant 0 : i32
        %dma_wait3A_48 = tpu.memref_slice %arg7[%dma_wait3A_46, %dma_wait3A_47] : memref<10112x128xf32, #tpu.memory_space<vmem_shared>> -> memref<10112x128xf32, #tpu.memory_space<vmem_shared>>
        tpu.wait_indirect_dma semaphore(%run_scoped3A : memref<!tpu.dma_semaphore, #tpu.memory_space<semaphore_mem>>) src(%arg5 : memref<80x128xf32, #tpu.memory_space<vmem>>) dst(%dma_wait3A_48 : memref<10112x128xf32, #tpu.memory_space<vmem_shared>>)
        tpu.yield
      }) : () -> ()
      %scan3A_38 = arith.constant 0 : i32
      scf.yield %scan3A_38 : i32
    }
    %scan3A_27 = arith.constant 64 : i32
    %barrier3A_28 = arith.constant 0 : index
    tpu.barrier barrier_id(%barrier3A_28)
    %mul3A_29 = arith.constant 632 : i32
    %mul3A_30 = arith.muli %arg1, %mul3A_29 : i32
    %mul3A_31 = arith.constant 10112 : i32
    %mul3A_32 = arith.muli %arg0, %mul3A_31 : i32
    %mul3A_33 = arith.constant 632 : i32
    %mul3A_34 = arith.muli %arg1, %mul3A_33 : i32
    %add3A_35 = arith.addi %mul3A_32, %mul3A_34 : i32
    "tpu.region"() ({
      %run_scoped3A = tpu.sem_alloc : memref<!tpu.dma_semaphore, #tpu.memory_space<semaphore_mem>>
      %dma_start3A = arith.constant 0 : i32
      %dma_start3A_36 = tpu.memref_slice %arg3[%add3A_35, %dma_start3A] : memref<20224x128xf32, #tpu.memory_space<hbm>> -> memref<632x128xf32, #tpu.memory_space<hbm>>
      %dma_start3A_37 = arith.constant 0 : i32
      %dma_start3A_38 = tpu.memref_slice %arg7[%mul3A_30, %dma_start3A_37] : memref<10112x128xf32, #tpu.memory_space<vmem_shared>> -> memref<632x128xf32, #tpu.memory_space<vmem_shared>>
      tpu.enqueue_dma source(%dma_start3A_38 : memref<632x128xf32, #tpu.memory_space<vmem_shared>>) target(%dma_start3A_36 : memref<632x128xf32, #tpu.memory_space<hbm>>) target_semaphore(%run_scoped3A : memref<!tpu.dma_semaphore, #tpu.memory_space<semaphore_mem>>)
      %dma_wait3A = arith.constant 0 : i32
      %dma_wait3A_39 = tpu.memref_slice %arg3[%add3A_35, %dma_wait3A] : memref<20224x128xf32, #tpu.memory_space<hbm>> -> memref<632x128xf32, #tpu.memory_space<hbm>>
      %dma_wait3A_40 = arith.constant 0 : i32
      %dma_wait3A_41 = tpu.memref_slice %arg7[%mul3A_30, %dma_wait3A_40] : memref<10112x128xf32, #tpu.memory_space<vmem_shared>> -> memref<632x128xf32, #tpu.memory_space<vmem_shared>>
      tpu.wait_dma2 semaphore(%run_scoped3A : memref<!tpu.dma_semaphore, #tpu.memory_space<semaphore_mem>>) src(%dma_wait3A_41 : memref<632x128xf32, #tpu.memory_space<vmem_shared>>) dst(%dma_wait3A_39 : memref<632x128xf32, #tpu.memory_space<hbm>>)
      tpu.yield
    }) : () -> ()
    return
  }
}

#map = affine_map<(d0, d1) -> (0, 0)>
#map1 = affine_map<(d0, d1) -> (0, 0, 0)>
module attributes {stable_mosaic.version = 14 : i64} {
  func.func @_sc_aggregate_body(%arg0: i32, %arg1: i32, %arg2: memref<20000x128xf32, #tpu.memory_space<hbm>>, %arg3: memref<16x125x80xi32, #tpu.memory_space<hbm>>, %arg4: memref<16x125x80xi32, #tpu.memory_space<hbm>>, %arg5: memref<20224x128xf32, #tpu.memory_space<hbm>>, %arg6: memref<125x80xi32, #tpu.memory_space<vmem>>, %arg7: memref<125x80xi32, #tpu.memory_space<vmem>>, %arg8: memref<80x128xf32, #tpu.memory_space<vmem>>, %arg9: memref<8x128xf32, #tpu.memory_space<vmem>>, %arg10: memref<10112x128xf32, #tpu.memory_space<vmem_shared>>) attributes {dimension_semantics = [#tpu.dimension_semantics<core_parallel>, #tpu.dimension_semantics<subcore_parallel>], iteration_bounds = array<i64: 2, 16>, scalar_prefetch = 0 : i64, scratch_operands = 5 : i64, tpu.core_type = #tpu.core_type<sc_vector_subcore>, window_params = [{transform_indices = #map}, {transform_indices = #map1}, {transform_indices = #map1}, {transform_indices = #map}]} {
    %scan3A = arith.constant 0 : i32
    %scan3A_0 = arith.constant 0 : i32
    %scan3A_1 = arith.constant 8 : i32
    %scan3A_2 = arith.addi %scan3A_0, %scan3A_1 : i32
    %scan3A_3 = arith.constant 1 : i32
    %scan3A_4 = scf.for %scan3A_35 = %scan3A_0 to %scan3A_2 step %scan3A_3 iter_args(%scan3A_36 = %scan3A) -> (i32)  : i32 {
      %broadcast_in_dim3A_37 = arith.constant 0.000000e+00 : f32
      %broadcast_in_dim3A_38 = vector.broadcast %broadcast_in_dim3A_37 : f32 to vector<16xf32>
      %swap3A = arith.index_cast %scan3A_35 : i32 to index
      %swap3A_39 = arith.constant 0 : index
      %swap3A_40 = tpu.vector_load %arg9[%swap3A, %swap3A_39] {strides = array<i32>} : memref<8x128xf32, #tpu.memory_space<vmem>>, vector<1x16xf32>,
      %swap3A_41 = vector.shape_cast %swap3A_40 : vector<1x16xf32> to vector<16xf32>
      %swap3A_42 = vector.shape_cast %broadcast_in_dim3A_38 : vector<16xf32> to vector<1x16xf32>
      tpu.vector_store %arg9[%swap3A, %swap3A_39], %swap3A_42 {strides = array<i32>} : memref<8x128xf32, #tpu.memory_space<vmem>>, vector<1x16xf32>,
      %broadcast_in_dim3A_43 = arith.constant 0.000000e+00 : f32
      %broadcast_in_dim3A_44 = vector.broadcast %broadcast_in_dim3A_43 : f32 to vector<16xf32>
      %swap3A_45 = arith.index_cast %scan3A_35 : i32 to index
      %swap3A_46 = arith.constant 16 : index
      %swap3A_47 = tpu.vector_load %arg9[%swap3A_45, %swap3A_46] {strides = array<i32>} : memref<8x128xf32, #tpu.memory_space<vmem>>, vector<1x16xf32>,
      %swap3A_48 = vector.shape_cast %swap3A_47 : vector<1x16xf32> to vector<16xf32>
      %swap3A_49 = vector.shape_cast %broadcast_in_dim3A_44 : vector<16xf32> to vector<1x16xf32>
      tpu.vector_store %arg9[%swap3A_45, %swap3A_46], %swap3A_49 {strides = array<i32>} : memref<8x128xf32, #tpu.memory_space<vmem>>, vector<1x16xf32>,
      %broadcast_in_dim3A_50 = arith.constant 0.000000e+00 : f32
      %broadcast_in_dim3A_51 = vector.broadcast %broadcast_in_dim3A_50 : f32 to vector<16xf32>
      %swap3A_52 = arith.index_cast %scan3A_35 : i32 to index
      %swap3A_53 = arith.constant 32 : index
      %swap3A_54 = tpu.vector_load %arg9[%swap3A_52, %swap3A_53] {strides = array<i32>} : memref<8x128xf32, #tpu.memory_space<vmem>>, vector<1x16xf32>,
      %swap3A_55 = vector.shape_cast %swap3A_54 : vector<1x16xf32> to vector<16xf32>
      %swap3A_56 = vector.shape_cast %broadcast_in_dim3A_51 : vector<16xf32> to vector<1x16xf32>
      tpu.vector_store %arg9[%swap3A_52, %swap3A_53], %swap3A_56 {strides = array<i32>} : memref<8x128xf32, #tpu.memory_space<vmem>>, vector<1x16xf32>,
      %broadcast_in_dim3A_57 = arith.constant 0.000000e+00 : f32
      %broadcast_in_dim3A_58 = vector.broadcast %broadcast_in_dim3A_57 : f32 to vector<16xf32>
      %swap3A_59 = arith.index_cast %scan3A_35 : i32 to index
      %swap3A_60 = arith.constant 48 : index
      %swap3A_61 = tpu.vector_load %arg9[%swap3A_59, %swap3A_60] {strides = array<i32>} : memref<8x128xf32, #tpu.memory_space<vmem>>, vector<1x16xf32>,
      %swap3A_62 = vector.shape_cast %swap3A_61 : vector<1x16xf32> to vector<16xf32>
      %swap3A_63 = vector.shape_cast %broadcast_in_dim3A_58 : vector<16xf32> to vector<1x16xf32>
      tpu.vector_store %arg9[%swap3A_59, %swap3A_60], %swap3A_63 {strides = array<i32>} : memref<8x128xf32, #tpu.memory_space<vmem>>, vector<1x16xf32>,
      %broadcast_in_dim3A_64 = arith.constant 0.000000e+00 : f32
      %broadcast_in_dim3A_65 = vector.broadcast %broadcast_in_dim3A_64 : f32 to vector<16xf32>
      %swap3A_66 = arith.index_cast %scan3A_35 : i32 to index
      %swap3A_67 = arith.constant 64 : index
      %swap3A_68 = tpu.vector_load %arg9[%swap3A_66, %swap3A_67] {strides = array<i32>} : memref<8x128xf32, #tpu.memory_space<vmem>>, vector<1x16xf32>,
      %swap3A_69 = vector.shape_cast %swap3A_68 : vector<1x16xf32> to vector<16xf32>
      %swap3A_70 = vector.shape_cast %broadcast_in_dim3A_65 : vector<16xf32> to vector<1x16xf32>
      tpu.vector_store %arg9[%swap3A_66, %swap3A_67], %swap3A_70 {strides = array<i32>} : memref<8x128xf32, #tpu.memory_space<vmem>>, vector<1x16xf32>,
      %broadcast_in_dim3A_71 = arith.constant 0.000000e+00 : f32
      %broadcast_in_dim3A_72 = vector.broadcast %broadcast_in_dim3A_71 : f32 to vector<16xf32>
      %swap3A_73 = arith.index_cast %scan3A_35 : i32 to index
      %swap3A_74 = arith.constant 80 : index
      %swap3A_75 = tpu.vector_load %arg9[%swap3A_73, %swap3A_74] {strides = array<i32>} : memref<8x128xf32, #tpu.memory_space<vmem>>, vector<1x16xf32>,
      %swap3A_76 = vector.shape_cast %swap3A_75 : vector<1x16xf32> to vector<16xf32>
      %swap3A_77 = vector.shape_cast %broadcast_in_dim3A_72 : vector<16xf32> to vector<1x16xf32>
      tpu.vector_store %arg9[%swap3A_73, %swap3A_74], %swap3A_77 {strides = array<i32>} : memref<8x128xf32, #tpu.memory_space<vmem>>, vector<1x16xf32>,
      %broadcast_in_dim3A_78 = arith.constant 0.000000e+00 : f32
      %broadcast_in_dim3A_79 = vector.broadcast %broadcast_in_dim3A_78 : f32 to vector<16xf32>
      %swap3A_80 = arith.index_cast %scan3A_35 : i32 to index
      %swap3A_81 = arith.constant 96 : index
      %swap3A_82 = tpu.vector_load %arg9[%swap3A_80, %swap3A_81] {strides = array<i32>} : memref<8x128xf32, #tpu.memory_space<vmem>>, vector<1x16xf32>,
      %swap3A_83 = vector.shape_cast %swap3A_82 : vector<1x16xf32> to vector<16xf32>
      %swap3A_84 = vector.shape_cast %broadcast_in_dim3A_79 : vector<16xf32> to vector<1x16xf32>
      tpu.vector_store %arg9[%swap3A_80, %swap3A_81], %swap3A_84 {strides = array<i32>} : memref<8x128xf32, #tpu.memory_space<vmem>>, vector<1x16xf32>,
      %broadcast_in_dim3A_85 = arith.constant 0.000000e+00 : f32
      %broadcast_in_dim3A_86 = vector.broadcast %broadcast_in_dim3A_85 : f32 to vector<16xf32>
      %swap3A_87 = arith.index_cast %scan3A_35 : i32 to index
      %swap3A_88 = arith.constant 112 : index
      %swap3A_89 = tpu.vector_load %arg9[%swap3A_87, %swap3A_88] {strides = array<i32>} : memref<8x128xf32, #tpu.memory_space<vmem>>, vector<1x16xf32>,
      %swap3A_90 = vector.shape_cast %swap3A_89 : vector<1x16xf32> to vector<16xf32>
      %swap3A_91 = vector.shape_cast %broadcast_in_dim3A_86 : vector<16xf32> to vector<1x16xf32>
      tpu.vector_store %arg9[%swap3A_87, %swap3A_88], %swap3A_91 {strides = array<i32>} : memref<8x128xf32, #tpu.memory_space<vmem>>, vector<1x16xf32>,
      %scan3A_92 = arith.constant 0 : i32
      scf.yield %scan3A_92 : i32
    }
    %scan3A_5 = arith.constant 8 : i32
    %scan3A_6 = arith.constant 0 : i32
    %scan3A_7 = arith.constant 0 : i32
    %scan3A_8 = arith.constant 79 : i32
    %scan3A_9 = arith.addi %scan3A_7, %scan3A_8 : i32
    %scan3A_10 = arith.constant 1 : i32
    %scan3A_11 = scf.for %scan3A_35 = %scan3A_7 to %scan3A_9 step %scan3A_10 iter_args(%scan3A_36 = %scan3A_6) -> (i32)  : i32 {
      %mul3A_37 = arith.constant 632 : i32
      %mul3A_38 = arith.muli %arg1, %mul3A_37 : i32
      %mul3A_39 = arith.constant 8 : i32
      %mul3A_40 = arith.muli %scan3A_35, %mul3A_39 : i32
      %add3A_41 = arith.addi %mul3A_38, %mul3A_40 : i32
      "tpu.region"() ({
        %run_scoped3A = tpu.sem_alloc : memref<!tpu.dma_semaphore, #tpu.memory_space<semaphore_mem>>
        %dma_start3A = arith.constant 0 : i32
        %dma_start3A_43 = tpu.memref_slice %arg10[%add3A_41, %dma_start3A] : memref<10112x128xf32, #tpu.memory_space<vmem_shared>> -> memref<8x128xf32, #tpu.memory_space<vmem_shared>>
        %dma_start3A_44 = arith.constant 0 : i32
        %dma_start3A_45 = tpu.memref_slice %arg10[%add3A_41, %dma_start3A_44] : memref<10112x128xf32, #tpu.memory_space<vmem_shared>> -> memref<8x128xf32, #tpu.memory_space<vmem_shared>>
        tpu.enqueue_dma source(%arg9 : memref<8x128xf32, #tpu.memory_space<vmem>>) target(%dma_start3A_45 : memref<8x128xf32, #tpu.memory_space<vmem_shared>>) target_semaphore(%run_scoped3A : memref<!tpu.dma_semaphore, #tpu.memory_space<semaphore_mem>>)
        %dma_wait3A = arith.constant 0 : i32
        %dma_wait3A_46 = tpu.memref_slice %arg10[%add3A_41, %dma_wait3A] : memref<10112x128xf32, #tpu.memory_space<vmem_shared>> -> memref<8x128xf32, #tpu.memory_space<vmem_shared>>
        %dma_wait3A_47 = arith.constant 0 : i32
        %dma_wait3A_48 = tpu.memref_slice %arg10[%add3A_41, %dma_wait3A_47] : memref<10112x128xf32, #tpu.memory_space<vmem_shared>> -> memref<8x128xf32, #tpu.memory_space<vmem_shared>>
        tpu.wait_dma2 semaphore(%run_scoped3A : memref<!tpu.dma_semaphore, #tpu.memory_space<semaphore_mem>>) src(%arg9 : memref<8x128xf32, #tpu.memory_space<vmem>>) dst(%dma_wait3A_48 : memref<8x128xf32, #tpu.memory_space<vmem_shared>>)
        tpu.yield
      }) : () -> ()
      %scan3A_42 = arith.constant 0 : i32
      scf.yield %scan3A_42 : i32
    }
    %scan3A_12 = arith.constant 79 : i32
    "tpu.region"() ({
      %run_scoped3A = tpu.sem_alloc : memref<!tpu.dma_semaphore, #tpu.memory_space<semaphore_mem>>
      %dma_start3A = arith.constant 0 : i32
      %dma_start3A_35 = arith.constant 0 : i32
      %dma_start3A_36 = tpu.memref_slice %arg3[%arg1, %dma_start3A, %dma_start3A_35] : memref<16x125x80xi32, #tpu.memory_space<hbm>> -> memref<1x125x80xi32, #tpu.memory_space<hbm>>
      %dma_start3A_37 = tpu.memref_squeeze %dma_start3A_36 : memref<1x125x80xi32, #tpu.memory_space<hbm>> -> memref<125x80xi32, #tpu.memory_space<hbm>>
      %dma_start3A_38 = arith.constant 0 : i32
      %dma_start3A_39 = arith.constant 0 : i32
      %dma_start3A_40 = tpu.memref_slice %arg3[%arg1, %dma_start3A_38, %dma_start3A_39] : memref<16x125x80xi32, #tpu.memory_space<hbm>> -> memref<1x125x80xi32, #tpu.memory_space<hbm>>
      %dma_start3A_41 = tpu.memref_squeeze %dma_start3A_40 : memref<1x125x80xi32, #tpu.memory_space<hbm>> -> memref<125x80xi32, #tpu.memory_space<hbm>>
      tpu.enqueue_dma source(%dma_start3A_41 : memref<125x80xi32, #tpu.memory_space<hbm>>) target(%arg6 : memref<125x80xi32, #tpu.memory_space<vmem>>) target_semaphore(%run_scoped3A : memref<!tpu.dma_semaphore, #tpu.memory_space<semaphore_mem>>)
      %dma_wait3A = arith.constant 0 : i32
      %dma_wait3A_42 = arith.constant 0 : i32
      %dma_wait3A_43 = tpu.memref_slice %arg3[%arg1, %dma_wait3A, %dma_wait3A_42] : memref<16x125x80xi32, #tpu.memory_space<hbm>> -> memref<1x125x80xi32, #tpu.memory_space<hbm>>
      %dma_wait3A_44 = tpu.memref_squeeze %dma_wait3A_43 : memref<1x125x80xi32, #tpu.memory_space<hbm>> -> memref<125x80xi32, #tpu.memory_space<hbm>>
      %dma_wait3A_45 = arith.constant 0 : i32
      %dma_wait3A_46 = arith.constant 0 : i32
      %dma_wait3A_47 = tpu.memref_slice %arg3[%arg1, %dma_wait3A_45, %dma_wait3A_46] : memref<16x125x80xi32, #tpu.memory_space<hbm>> -> memref<1x125x80xi32, #tpu.memory_space<hbm>>
      %dma_wait3A_48 = tpu.memref_squeeze %dma_wait3A_47 : memref<1x125x80xi32, #tpu.memory_space<hbm>> -> memref<125x80xi32, #tpu.memory_space<hbm>>
      tpu.wait_dma2 semaphore(%run_scoped3A : memref<!tpu.dma_semaphore, #tpu.memory_space<semaphore_mem>>) src(%dma_wait3A_48 : memref<125x80xi32, #tpu.memory_space<hbm>>) dst(%arg6 : memref<125x80xi32, #tpu.memory_space<vmem>>)
      tpu.yield
    }) : () -> ()
    "tpu.region"() ({
      %run_scoped3A = tpu.sem_alloc : memref<!tpu.dma_semaphore, #tpu.memory_space<semaphore_mem>>
      %dma_start3A = arith.constant 0 : i32
      %dma_start3A_35 = arith.constant 0 : i32
      %dma_start3A_36 = tpu.memref_slice %arg4[%arg1, %dma_start3A, %dma_start3A_35] : memref<16x125x80xi32, #tpu.memory_space<hbm>> -> memref<1x125x80xi32, #tpu.memory_space<hbm>>
      %dma_start3A_37 = tpu.memref_squeeze %dma_start3A_36 : memref<1x125x80xi32, #tpu.memory_space<hbm>> -> memref<125x80xi32, #tpu.memory_space<hbm>>
      %dma_start3A_38 = arith.constant 0 : i32
      %dma_start3A_39 = arith.constant 0 : i32
      %dma_start3A_40 = tpu.memref_slice %arg4[%arg1, %dma_start3A_38, %dma_start3A_39] : memref<16x125x80xi32, #tpu.memory_space<hbm>> -> memref<1x125x80xi32, #tpu.memory_space<hbm>>
      %dma_start3A_41 = tpu.memref_squeeze %dma_start3A_40 : memref<1x125x80xi32, #tpu.memory_space<hbm>> -> memref<125x80xi32, #tpu.memory_space<hbm>>
      tpu.enqueue_dma source(%dma_start3A_41 : memref<125x80xi32, #tpu.memory_space<hbm>>) target(%arg7 : memref<125x80xi32, #tpu.memory_space<vmem>>) target_semaphore(%run_scoped3A : memref<!tpu.dma_semaphore, #tpu.memory_space<semaphore_mem>>)
      %dma_wait3A = arith.constant 0 : i32
      %dma_wait3A_42 = arith.constant 0 : i32
      %dma_wait3A_43 = tpu.memref_slice %arg4[%arg1, %dma_wait3A, %dma_wait3A_42] : memref<16x125x80xi32, #tpu.memory_space<hbm>> -> memref<1x125x80xi32, #tpu.memory_space<hbm>>
      %dma_wait3A_44 = tpu.memref_squeeze %dma_wait3A_43 : memref<1x125x80xi32, #tpu.memory_space<hbm>> -> memref<125x80xi32, #tpu.memory_space<hbm>>
      %dma_wait3A_45 = arith.constant 0 : i32
      %dma_wait3A_46 = arith.constant 0 : i32
      %dma_wait3A_47 = tpu.memref_slice %arg4[%arg1, %dma_wait3A_45, %dma_wait3A_46] : memref<16x125x80xi32, #tpu.memory_space<hbm>> -> memref<1x125x80xi32, #tpu.memory_space<hbm>>
      %dma_wait3A_48 = tpu.memref_squeeze %dma_wait3A_47 : memref<1x125x80xi32, #tpu.memory_space<hbm>> -> memref<125x80xi32, #tpu.memory_space<hbm>>
      tpu.wait_dma2 semaphore(%run_scoped3A : memref<!tpu.dma_semaphore, #tpu.memory_space<semaphore_mem>>) src(%dma_wait3A_48 : memref<125x80xi32, #tpu.memory_space<hbm>>) dst(%arg7 : memref<125x80xi32, #tpu.memory_space<vmem>>)
      tpu.yield
    }) : () -> ()
    %mul3A = arith.constant 10000 : i32
    %mul3A_13 = arith.muli %arg0, %mul3A : i32
    %broadcast_in_dim3A = vector.broadcast %mul3A_13 : i32 to vector<16xi32>
    %scan3A_14 = arith.constant 0 : i32
    %scan3A_15 = arith.constant 0 : i32
    %scan3A_16 = arith.constant 125 : i32
    %scan3A_17 = arith.addi %scan3A_15, %scan3A_16 : i32
    %scan3A_18 = arith.constant 1 : i32
    %scan3A_19 = scf.for %scan3A_35 = %scan3A_15 to %scan3A_17 step %scan3A_18 iter_args(%scan3A_36 = %scan3A_14) -> (i32)  : i32 {
      %get3A = arith.index_cast %scan3A_35 : i32 to index
      %get3A_37 = arith.constant 0 : index
      %get3A_38 = tpu.vector_load %arg6[%get3A, %get3A_37] {strides = array<i32>} : memref<125x80xi32, #tpu.memory_space<vmem>>, vector<1x16xi32>,
      %get3A_39 = vector.shape_cast %get3A_38 : vector<1x16xi32> to vector<16xi32>
      %add3A_40 = arith.addi %get3A_39, %broadcast_in_dim3A : vector<16xi32>
      %swap3A = arith.index_cast %scan3A_35 : i32 to index
      %swap3A_41 = arith.constant 0 : index
      %swap3A_42 = tpu.vector_load %arg6[%swap3A, %swap3A_41] {strides = array<i32>} : memref<125x80xi32, #tpu.memory_space<vmem>>, vector<1x16xi32>,
      %swap3A_43 = vector.shape_cast %swap3A_42 : vector<1x16xi32> to vector<16xi32>
      %swap3A_44 = vector.shape_cast %add3A_40 : vector<16xi32> to vector<1x16xi32>
      tpu.vector_store %arg6[%swap3A, %swap3A_41], %swap3A_44 {strides = array<i32>} : memref<125x80xi32, #tpu.memory_space<vmem>>, vector<1x16xi32>,
      %get3A_45 = arith.index_cast %scan3A_35 : i32 to index
      %get3A_46 = arith.constant 16 : index
      %get3A_47 = tpu.vector_load %arg6[%get3A_45, %get3A_46] {strides = array<i32>} : memref<125x80xi32, #tpu.memory_space<vmem>>, vector<1x16xi32>,
      %get3A_48 = vector.shape_cast %get3A_47 : vector<1x16xi32> to vector<16xi32>
      %add3A_49 = arith.addi %get3A_48, %broadcast_in_dim3A : vector<16xi32>
      %swap3A_50 = arith.index_cast %scan3A_35 : i32 to index
      %swap3A_51 = arith.constant 16 : index
      %swap3A_52 = tpu.vector_load %arg6[%swap3A_50, %swap3A_51] {strides = array<i32>} : memref<125x80xi32, #tpu.memory_space<vmem>>, vector<1x16xi32>,
      %swap3A_53 = vector.shape_cast %swap3A_52 : vector<1x16xi32> to vector<16xi32>
      %swap3A_54 = vector.shape_cast %add3A_49 : vector<16xi32> to vector<1x16xi32>
      tpu.vector_store %arg6[%swap3A_50, %swap3A_51], %swap3A_54 {strides = array<i32>} : memref<125x80xi32, #tpu.memory_space<vmem>>, vector<1x16xi32>,
      %get3A_55 = arith.index_cast %scan3A_35 : i32 to index
      %get3A_56 = arith.constant 32 : index
      %get3A_57 = tpu.vector_load %arg6[%get3A_55, %get3A_56] {strides = array<i32>} : memref<125x80xi32, #tpu.memory_space<vmem>>, vector<1x16xi32>,
      %get3A_58 = vector.shape_cast %get3A_57 : vector<1x16xi32> to vector<16xi32>
      %add3A_59 = arith.addi %get3A_58, %broadcast_in_dim3A : vector<16xi32>
      %swap3A_60 = arith.index_cast %scan3A_35 : i32 to index
      %swap3A_61 = arith.constant 32 : index
      %swap3A_62 = tpu.vector_load %arg6[%swap3A_60, %swap3A_61] {strides = array<i32>} : memref<125x80xi32, #tpu.memory_space<vmem>>, vector<1x16xi32>,
      %swap3A_63 = vector.shape_cast %swap3A_62 : vector<1x16xi32> to vector<16xi32>
      %swap3A_64 = vector.shape_cast %add3A_59 : vector<16xi32> to vector<1x16xi32>
      tpu.vector_store %arg6[%swap3A_60, %swap3A_61], %swap3A_64 {strides = array<i32>} : memref<125x80xi32, #tpu.memory_space<vmem>>, vector<1x16xi32>,
      %get3A_65 = arith.index_cast %scan3A_35 : i32 to index
      %get3A_66 = arith.constant 48 : index
      %get3A_67 = tpu.vector_load %arg6[%get3A_65, %get3A_66] {strides = array<i32>} : memref<125x80xi32, #tpu.memory_space<vmem>>, vector<1x16xi32>,
      %get3A_68 = vector.shape_cast %get3A_67 : vector<1x16xi32> to vector<16xi32>
      %add3A_69 = arith.addi %get3A_68, %broadcast_in_dim3A : vector<16xi32>
      %swap3A_70 = arith.index_cast %scan3A_35 : i32 to index
      %swap3A_71 = arith.constant 48 : index
      %swap3A_72 = tpu.vector_load %arg6[%swap3A_70, %swap3A_71] {strides = array<i32>} : memref<125x80xi32, #tpu.memory_space<vmem>>, vector<1x16xi32>,
      %swap3A_73 = vector.shape_cast %swap3A_72 : vector<1x16xi32> to vector<16xi32>
      %swap3A_74 = vector.shape_cast %add3A_69 : vector<16xi32> to vector<1x16xi32>
      tpu.vector_store %arg6[%swap3A_70, %swap3A_71], %swap3A_74 {strides = array<i32>} : memref<125x80xi32, #tpu.memory_space<vmem>>, vector<1x16xi32>,
      %get3A_75 = arith.index_cast %scan3A_35 : i32 to index
      %get3A_76 = arith.constant 64 : index
      %get3A_77 = tpu.vector_load %arg6[%get3A_75, %get3A_76] {strides = array<i32>} : memref<125x80xi32, #tpu.memory_space<vmem>>, vector<1x16xi32>,
      %get3A_78 = vector.shape_cast %get3A_77 : vector<1x16xi32> to vector<16xi32>
      %add3A_79 = arith.addi %get3A_78, %broadcast_in_dim3A : vector<16xi32>
      %swap3A_80 = arith.index_cast %scan3A_35 : i32 to index
      %swap3A_81 = arith.constant 64 : index
      %swap3A_82 = tpu.vector_load %arg6[%swap3A_80, %swap3A_81] {strides = array<i32>} : memref<125x80xi32, #tpu.memory_space<vmem>>, vector<1x16xi32>,
      %swap3A_83 = vector.shape_cast %swap3A_82 : vector<1x16xi32> to vector<16xi32>
      %swap3A_84 = vector.shape_cast %add3A_79 : vector<16xi32> to vector<1x16xi32>
      tpu.vector_store %arg6[%swap3A_80, %swap3A_81], %swap3A_84 {strides = array<i32>} : memref<125x80xi32, #tpu.memory_space<vmem>>, vector<1x16xi32>,
      %scan3A_85 = arith.constant 0 : i32
      scf.yield %scan3A_85 : i32
    }
    %scan3A_20 = arith.constant 125 : i32
    %barrier3A = arith.constant 0 : index
    tpu.barrier barrier_id(%barrier3A)
    %scan3A_21 = arith.constant 0 : i32
    %scan3A_22 = arith.constant 0 : i32
    %scan3A_23 = arith.constant 125 : i32
    %scan3A_24 = arith.addi %scan3A_22, %scan3A_23 : i32
    %scan3A_25 = arith.constant 1 : i32
    %scan3A_26 = scf.for %scan3A_35 = %scan3A_22 to %scan3A_24 step %scan3A_25 iter_args(%scan3A_36 = %scan3A_21) -> (i32)  : i32 {
      "tpu.region"() ({
        %run_scoped3A = tpu.sem_alloc : memref<!tpu.dma_semaphore, #tpu.memory_space<semaphore_mem>>
        %dma_start3A = arith.constant 0 : i32
        %dma_start3A_38 = tpu.memref_slice %arg6[%scan3A_35, %dma_start3A] : memref<125x80xi32, #tpu.memory_space<vmem>> -> memref<1x80xi32, #tpu.memory_space<vmem>>
        %dma_start3A_39 = tpu.memref_squeeze %dma_start3A_38 : memref<1x80xi32, #tpu.memory_space<vmem>> -> memref<80xi32, #tpu.memory_space<vmem>>
        %dma_start3A_40 = arith.constant 0 : i32
        %dma_start3A_41 = arith.constant 0 : i32
        %dma_start3A_42 = tpu.memref_slice %arg2[%dma_start3A_40, %dma_start3A_41] : memref<20000x128xf32, #tpu.memory_space<hbm>> -> memref<20000x128xf32, #tpu.memory_space<hbm>>
        tpu.enqueue_indirect_dma source(%dma_start3A_42 : memref<20000x128xf32, #tpu.memory_space<hbm>>) target(%arg8 : memref<80x128xf32, #tpu.memory_space<vmem>>) offsets(%dma_start3A_39 : memref<80xi32, #tpu.memory_space<vmem>>) semaphore(%run_scoped3A : memref<!tpu.dma_semaphore, #tpu.memory_space<semaphore_mem>>)
        %dma_wait3A = arith.constant 0 : i32
        %dma_wait3A_43 = tpu.memref_slice %arg6[%scan3A_35, %dma_wait3A] : memref<125x80xi32, #tpu.memory_space<vmem>> -> memref<1x80xi32, #tpu.memory_space<vmem>>
        %dma_wait3A_44 = tpu.memref_squeeze %dma_wait3A_43 : memref<1x80xi32, #tpu.memory_space<vmem>> -> memref<80xi32, #tpu.memory_space<vmem>>
        %dma_wait3A_45 = arith.constant 0 : i32
        %dma_wait3A_46 = arith.constant 0 : i32
        %dma_wait3A_47 = tpu.memref_slice %arg2[%dma_wait3A_45, %dma_wait3A_46] : memref<20000x128xf32, #tpu.memory_space<hbm>> -> memref<20000x128xf32, #tpu.memory_space<hbm>>
        tpu.wait_indirect_dma semaphore(%run_scoped3A : memref<!tpu.dma_semaphore, #tpu.memory_space<semaphore_mem>>) src(%dma_wait3A_47 : memref<20000x128xf32, #tpu.memory_space<hbm>>) dst(%arg8 : memref<80x128xf32, #tpu.memory_space<vmem>>)
        tpu.yield
      }) : () -> ()
      "tpu.region"() ({
        %run_scoped3A = tpu.sem_alloc : memref<!tpu.dma_semaphore, #tpu.memory_space<semaphore_mem>>
        %dma_start3A = arith.constant 0 : i32
        %dma_start3A_38 = tpu.memref_slice %arg7[%scan3A_35, %dma_start3A] : memref<125x80xi32, #tpu.memory_space<vmem>> -> memref<1x80xi32, #tpu.memory_space<vmem>>
        %dma_start3A_39 = tpu.memref_squeeze %dma_start3A_38 : memref<1x80xi32, #tpu.memory_space<vmem>> -> memref<80xi32, #tpu.memory_space<vmem>>
        %dma_start3A_40 = arith.constant 0 : i32
        %dma_start3A_41 = arith.constant 0 : i32
        %dma_start3A_42 = tpu.memref_slice %arg10[%dma_start3A_40, %dma_start3A_41] : memref<10112x128xf32, #tpu.memory_space<vmem_shared>> -> memref<10112x128xf32, #tpu.memory_space<vmem_shared>>
        tpu.enqueue_indirect_dma source(%arg8 : memref<80x128xf32, #tpu.memory_space<vmem>>) target(%dma_start3A_42 : memref<10112x128xf32, #tpu.memory_space<vmem_shared>>) offsets(%dma_start3A_39 : memref<80xi32, #tpu.memory_space<vmem>>) semaphore(%run_scoped3A : memref<!tpu.dma_semaphore, #tpu.memory_space<semaphore_mem>>) {add = true}
        %dma_wait3A = arith.constant 0 : i32
        %dma_wait3A_43 = tpu.memref_slice %arg7[%scan3A_35, %dma_wait3A] : memref<125x80xi32, #tpu.memory_space<vmem>> -> memref<1x80xi32, #tpu.memory_space<vmem>>
        %dma_wait3A_44 = tpu.memref_squeeze %dma_wait3A_43 : memref<1x80xi32, #tpu.memory_space<vmem>> -> memref<80xi32, #tpu.memory_space<vmem>>
        %dma_wait3A_45 = arith.constant 0 : i32
        %dma_wait3A_46 = arith.constant 0 : i32
        %dma_wait3A_47 = tpu.memref_slice %arg10[%dma_wait3A_45, %dma_wait3A_46] : memref<10112x128xf32, #tpu.memory_space<vmem_shared>> -> memref<10112x128xf32, #tpu.memory_space<vmem_shared>>
        tpu.wait_indirect_dma semaphore(%run_scoped3A : memref<!tpu.dma_semaphore, #tpu.memory_space<semaphore_mem>>) src(%arg8 : memref<80x128xf32, #tpu.memory_space<vmem>>) dst(%dma_wait3A_47 : memref<10112x128xf32, #tpu.memory_space<vmem_shared>>)
        tpu.yield
      }) : () -> ()
      %scan3A_37 = arith.constant 0 : i32
      scf.yield %scan3A_37 : i32
    }
    %scan3A_27 = arith.constant 125 : i32
    %barrier3A_28 = arith.constant 0 : index
    tpu.barrier barrier_id(%barrier3A_28)
    %mul3A_29 = arith.constant 632 : i32
    %mul3A_30 = arith.muli %arg1, %mul3A_29 : i32
    %mul3A_31 = arith.constant 10112 : i32
    %mul3A_32 = arith.muli %arg0, %mul3A_31 : i32
    %mul3A_33 = arith.constant 632 : i32
    %mul3A_34 = arith.muli %arg1, %mul3A_33 : i32
    %add3A = arith.addi %mul3A_32, %mul3A_34 : i32
    "tpu.region"() ({
      %run_scoped3A = tpu.sem_alloc : memref<!tpu.dma_semaphore, #tpu.memory_space<semaphore_mem>>
      %dma_start3A = arith.constant 0 : i32
      %dma_start3A_35 = tpu.memref_slice %arg5[%add3A, %dma_start3A] : memref<20224x128xf32, #tpu.memory_space<hbm>> -> memref<632x128xf32, #tpu.memory_space<hbm>>
      %dma_start3A_36 = arith.constant 0 : i32
      %dma_start3A_37 = tpu.memref_slice %arg10[%mul3A_30, %dma_start3A_36] : memref<10112x128xf32, #tpu.memory_space<vmem_shared>> -> memref<632x128xf32, #tpu.memory_space<vmem_shared>>
      tpu.enqueue_dma source(%dma_start3A_37 : memref<632x128xf32, #tpu.memory_space<vmem_shared>>) target(%dma_start3A_35 : memref<632x128xf32, #tpu.memory_space<hbm>>) target_semaphore(%run_scoped3A : memref<!tpu.dma_semaphore, #tpu.memory_space<semaphore_mem>>)
      %dma_wait3A = arith.constant 0 : i32
      %dma_wait3A_38 = tpu.memref_slice %arg5[%add3A, %dma_wait3A] : memref<20224x128xf32, #tpu.memory_space<hbm>> -> memref<632x128xf32, #tpu.memory_space<hbm>>
      %dma_wait3A_39 = arith.constant 0 : i32
      %dma_wait3A_40 = tpu.memref_slice %arg10[%mul3A_30, %dma_wait3A_39] : memref<10112x128xf32, #tpu.memory_space<vmem_shared>> -> memref<632x128xf32, #tpu.memory_space<vmem_shared>>
      tpu.wait_dma2 semaphore(%run_scoped3A : memref<!tpu.dma_semaphore, #tpu.memory_space<semaphore_mem>>) src(%dma_wait3A_40 : memref<632x128xf32, #tpu.memory_space<vmem_shared>>) dst(%dma_wait3A_38 : memref<632x128xf32, #tpu.memory_space<hbm>>)
      tpu.yield
    }) : () -> ()
    return
  }
}

#map = affine_map<(d0, d1) -> (0, 0)>
#map1 = affine_map<(d0, d1) -> (0, 0, 0)>
module attributes {stable_mosaic.version = 14 : i64} {
  func.func @_sc_aggregate_body(%arg0: i32, %arg1: i32, %arg2: memref<20000x128xf32, #tpu.memory_space<hbm>>, %arg3: memref<16x125x80xi32, #tpu.memory_space<hbm>>, %arg4: memref<16x125x80xi32, #tpu.memory_space<hbm>>, %arg5: memref<20224x128xf32, #tpu.memory_space<hbm>>, %arg6: memref<125x80xi32, #tpu.memory_space<vmem>>, %arg7: memref<125x80xi32, #tpu.memory_space<vmem>>, %arg8: memref<80x128xf32, #tpu.memory_space<vmem>>, %arg9: memref<8x128xf32, #tpu.memory_space<vmem>>, %arg10: memref<10112x128xf32, #tpu.memory_space<vmem_shared>>) attributes {dimension_semantics = [#tpu.dimension_semantics<core_parallel>, #tpu.dimension_semantics<subcore_parallel>], iteration_bounds = array<i64: 2, 16>, scalar_prefetch = 0 : i64, scratch_operands = 5 : i64, tpu.core_type = #tpu.core_type<sc_vector_subcore>, window_params = [{transform_indices = #map}, {transform_indices = #map1}, {transform_indices = #map1}, {transform_indices = #map}]} {
    %scan3A = arith.constant 0 : i32
    %scan3A_0 = arith.constant 0 : i32
    %scan3A_1 = arith.constant 8 : i32
    %scan3A_2 = arith.addi %scan3A_0, %scan3A_1 : i32
    %scan3A_3 = arith.constant 1 : i32
    %scan3A_4 = scf.for %scan3A_35 = %scan3A_0 to %scan3A_2 step %scan3A_3 iter_args(%scan3A_36 = %scan3A) -> (i32)  : i32 {
      %broadcast_in_dim3A_37 = arith.constant 0.000000e+00 : f32
      %broadcast_in_dim3A_38 = vector.broadcast %broadcast_in_dim3A_37 : f32 to vector<16xf32>
      %swap3A = arith.index_cast %scan3A_35 : i32 to index
      %swap3A_39 = arith.constant 0 : index
      %swap3A_40 = tpu.vector_load %arg9[%swap3A, %swap3A_39] {strides = array<i32>} : memref<8x128xf32, #tpu.memory_space<vmem>>, vector<1x16xf32>,
      %swap3A_41 = vector.shape_cast %swap3A_40 : vector<1x16xf32> to vector<16xf32>
      %swap3A_42 = vector.shape_cast %broadcast_in_dim3A_38 : vector<16xf32> to vector<1x16xf32>
      tpu.vector_store %arg9[%swap3A, %swap3A_39], %swap3A_42 {strides = array<i32>} : memref<8x128xf32, #tpu.memory_space<vmem>>, vector<1x16xf32>,
      %broadcast_in_dim3A_43 = arith.constant 0.000000e+00 : f32
      %broadcast_in_dim3A_44 = vector.broadcast %broadcast_in_dim3A_43 : f32 to vector<16xf32>
      %swap3A_45 = arith.index_cast %scan3A_35 : i32 to index
      %swap3A_46 = arith.constant 16 : index
      %swap3A_47 = tpu.vector_load %arg9[%swap3A_45, %swap3A_46] {strides = array<i32>} : memref<8x128xf32, #tpu.memory_space<vmem>>, vector<1x16xf32>,
      %swap3A_48 = vector.shape_cast %swap3A_47 : vector<1x16xf32> to vector<16xf32>
      %swap3A_49 = vector.shape_cast %broadcast_in_dim3A_44 : vector<16xf32> to vector<1x16xf32>
      tpu.vector_store %arg9[%swap3A_45, %swap3A_46], %swap3A_49 {strides = array<i32>} : memref<8x128xf32, #tpu.memory_space<vmem>>, vector<1x16xf32>,
      %broadcast_in_dim3A_50 = arith.constant 0.000000e+00 : f32
      %broadcast_in_dim3A_51 = vector.broadcast %broadcast_in_dim3A_50 : f32 to vector<16xf32>
      %swap3A_52 = arith.index_cast %scan3A_35 : i32 to index
      %swap3A_53 = arith.constant 32 : index
      %swap3A_54 = tpu.vector_load %arg9[%swap3A_52, %swap3A_53] {strides = array<i32>} : memref<8x128xf32, #tpu.memory_space<vmem>>, vector<1x16xf32>,
      %swap3A_55 = vector.shape_cast %swap3A_54 : vector<1x16xf32> to vector<16xf32>
      %swap3A_56 = vector.shape_cast %broadcast_in_dim3A_51 : vector<16xf32> to vector<1x16xf32>
      tpu.vector_store %arg9[%swap3A_52, %swap3A_53], %swap3A_56 {strides = array<i32>} : memref<8x128xf32, #tpu.memory_space<vmem>>, vector<1x16xf32>,
      %broadcast_in_dim3A_57 = arith.constant 0.000000e+00 : f32
      %broadcast_in_dim3A_58 = vector.broadcast %broadcast_in_dim3A_57 : f32 to vector<16xf32>
      %swap3A_59 = arith.index_cast %scan3A_35 : i32 to index
      %swap3A_60 = arith.constant 48 : index
      %swap3A_61 = tpu.vector_load %arg9[%swap3A_59, %swap3A_60] {strides = array<i32>} : memref<8x128xf32, #tpu.memory_space<vmem>>, vector<1x16xf32>,
      %swap3A_62 = vector.shape_cast %swap3A_61 : vector<1x16xf32> to vector<16xf32>
      %swap3A_63 = vector.shape_cast %broadcast_in_dim3A_58 : vector<16xf32> to vector<1x16xf32>
      tpu.vector_store %arg9[%swap3A_59, %swap3A_60], %swap3A_63 {strides = array<i32>} : memref<8x128xf32, #tpu.memory_space<vmem>>, vector<1x16xf32>,
      %broadcast_in_dim3A_64 = arith.constant 0.000000e+00 : f32
      %broadcast_in_dim3A_65 = vector.broadcast %broadcast_in_dim3A_64 : f32 to vector<16xf32>
      %swap3A_66 = arith.index_cast %scan3A_35 : i32 to index
      %swap3A_67 = arith.constant 64 : index
      %swap3A_68 = tpu.vector_load %arg9[%swap3A_66, %swap3A_67] {strides = array<i32>} : memref<8x128xf32, #tpu.memory_space<vmem>>, vector<1x16xf32>,
      %swap3A_69 = vector.shape_cast %swap3A_68 : vector<1x16xf32> to vector<16xf32>
      %swap3A_70 = vector.shape_cast %broadcast_in_dim3A_65 : vector<16xf32> to vector<1x16xf32>
      tpu.vector_store %arg9[%swap3A_66, %swap3A_67], %swap3A_70 {strides = array<i32>} : memref<8x128xf32, #tpu.memory_space<vmem>>, vector<1x16xf32>,
      %broadcast_in_dim3A_71 = arith.constant 0.000000e+00 : f32
      %broadcast_in_dim3A_72 = vector.broadcast %broadcast_in_dim3A_71 : f32 to vector<16xf32>
      %swap3A_73 = arith.index_cast %scan3A_35 : i32 to index
      %swap3A_74 = arith.constant 80 : index
      %swap3A_75 = tpu.vector_load %arg9[%swap3A_73, %swap3A_74] {strides = array<i32>} : memref<8x128xf32, #tpu.memory_space<vmem>>, vector<1x16xf32>,
      %swap3A_76 = vector.shape_cast %swap3A_75 : vector<1x16xf32> to vector<16xf32>
      %swap3A_77 = vector.shape_cast %broadcast_in_dim3A_72 : vector<16xf32> to vector<1x16xf32>
      tpu.vector_store %arg9[%swap3A_73, %swap3A_74], %swap3A_77 {strides = array<i32>} : memref<8x128xf32, #tpu.memory_space<vmem>>, vector<1x16xf32>,
      %broadcast_in_dim3A_78 = arith.constant 0.000000e+00 : f32
      %broadcast_in_dim3A_79 = vector.broadcast %broadcast_in_dim3A_78 : f32 to vector<16xf32>
      %swap3A_80 = arith.index_cast %scan3A_35 : i32 to index
      %swap3A_81 = arith.constant 96 : index
      %swap3A_82 = tpu.vector_load %arg9[%swap3A_80, %swap3A_81] {strides = array<i32>} : memref<8x128xf32, #tpu.memory_space<vmem>>, vector<1x16xf32>,
      %swap3A_83 = vector.shape_cast %swap3A_82 : vector<1x16xf32> to vector<16xf32>
      %swap3A_84 = vector.shape_cast %broadcast_in_dim3A_79 : vector<16xf32> to vector<1x16xf32>
      tpu.vector_store %arg9[%swap3A_80, %swap3A_81], %swap3A_84 {strides = array<i32>} : memref<8x128xf32, #tpu.memory_space<vmem>>, vector<1x16xf32>,
      %broadcast_in_dim3A_85 = arith.constant 0.000000e+00 : f32
      %broadcast_in_dim3A_86 = vector.broadcast %broadcast_in_dim3A_85 : f32 to vector<16xf32>
      %swap3A_87 = arith.index_cast %scan3A_35 : i32 to index
      %swap3A_88 = arith.constant 112 : index
      %swap3A_89 = tpu.vector_load %arg9[%swap3A_87, %swap3A_88] {strides = array<i32>} : memref<8x128xf32, #tpu.memory_space<vmem>>, vector<1x16xf32>,
      %swap3A_90 = vector.shape_cast %swap3A_89 : vector<1x16xf32> to vector<16xf32>
      %swap3A_91 = vector.shape_cast %broadcast_in_dim3A_86 : vector<16xf32> to vector<1x16xf32>
      tpu.vector_store %arg9[%swap3A_87, %swap3A_88], %swap3A_91 {strides = array<i32>} : memref<8x128xf32, #tpu.memory_space<vmem>>, vector<1x16xf32>,
      %scan3A_92 = arith.constant 0 : i32
      scf.yield %scan3A_92 : i32
    }
    %scan3A_5 = arith.constant 8 : i32
    %scan3A_6 = arith.constant 0 : i32
    %scan3A_7 = arith.constant 0 : i32
    %scan3A_8 = arith.constant 79 : i32
    %scan3A_9 = arith.addi %scan3A_7, %scan3A_8 : i32
    %scan3A_10 = arith.constant 1 : i32
    %scan3A_11 = scf.for %scan3A_35 = %scan3A_7 to %scan3A_9 step %scan3A_10 iter_args(%scan3A_36 = %scan3A_6) -> (i32)  : i32 {
      %mul3A_37 = arith.constant 632 : i32
      %mul3A_38 = arith.muli %arg1, %mul3A_37 : i32
      %mul3A_39 = arith.constant 8 : i32
      %mul3A_40 = arith.muli %scan3A_35, %mul3A_39 : i32
      %add3A_41 = arith.addi %mul3A_38, %mul3A_40 : i32
      "tpu.region"() ({
        %run_scoped3A = tpu.sem_alloc : memref<!tpu.dma_semaphore, #tpu.memory_space<semaphore_mem>>
        %dma_start3A = arith.constant 0 : i32
        %dma_start3A_43 = tpu.memref_slice %arg10[%add3A_41, %dma_start3A] : memref<10112x128xf32, #tpu.memory_space<vmem_shared>> -> memref<8x128xf32, #tpu.memory_space<vmem_shared>>
        %dma_start3A_44 = arith.constant 0 : i32
        %dma_start3A_45 = tpu.memref_slice %arg10[%add3A_41, %dma_start3A_44] : memref<10112x128xf32, #tpu.memory_space<vmem_shared>> -> memref<8x128xf32, #tpu.memory_space<vmem_shared>>
        tpu.enqueue_dma source(%arg9 : memref<8x128xf32, #tpu.memory_space<vmem>>) target(%dma_start3A_45 : memref<8x128xf32, #tpu.memory_space<vmem_shared>>) target_semaphore(%run_scoped3A : memref<!tpu.dma_semaphore, #tpu.memory_space<semaphore_mem>>)
        %dma_wait3A = arith.constant 0 : i32
        %dma_wait3A_46 = tpu.memref_slice %arg10[%add3A_41, %dma_wait3A] : memref<10112x128xf32, #tpu.memory_space<vmem_shared>> -> memref<8x128xf32, #tpu.memory_space<vmem_shared>>
        %dma_wait3A_47 = arith.constant 0 : i32
        %dma_wait3A_48 = tpu.memref_slice %arg10[%add3A_41, %dma_wait3A_47] : memref<10112x128xf32, #tpu.memory_space<vmem_shared>> -> memref<8x128xf32, #tpu.memory_space<vmem_shared>>
        tpu.wait_dma2 semaphore(%run_scoped3A : memref<!tpu.dma_semaphore, #tpu.memory_space<semaphore_mem>>) src(%arg9 : memref<8x128xf32, #tpu.memory_space<vmem>>) dst(%dma_wait3A_48 : memref<8x128xf32, #tpu.memory_space<vmem_shared>>)
        tpu.yield
      }) : () -> ()
      %scan3A_42 = arith.constant 0 : i32
      scf.yield %scan3A_42 : i32
    }
    %scan3A_12 = arith.constant 79 : i32
    "tpu.region"() ({
      %run_scoped3A = tpu.sem_alloc : memref<!tpu.dma_semaphore, #tpu.memory_space<semaphore_mem>>
      %dma_start3A = arith.constant 0 : i32
      %dma_start3A_35 = arith.constant 0 : i32
      %dma_start3A_36 = tpu.memref_slice %arg3[%arg1, %dma_start3A, %dma_start3A_35] : memref<16x125x80xi32, #tpu.memory_space<hbm>> -> memref<1x125x80xi32, #tpu.memory_space<hbm>>
      %dma_start3A_37 = tpu.memref_squeeze %dma_start3A_36 : memref<1x125x80xi32, #tpu.memory_space<hbm>> -> memref<125x80xi32, #tpu.memory_space<hbm>>
      %dma_start3A_38 = arith.constant 0 : i32
      %dma_start3A_39 = arith.constant 0 : i32
      %dma_start3A_40 = tpu.memref_slice %arg3[%arg1, %dma_start3A_38, %dma_start3A_39] : memref<16x125x80xi32, #tpu.memory_space<hbm>> -> memref<1x125x80xi32, #tpu.memory_space<hbm>>
      %dma_start3A_41 = tpu.memref_squeeze %dma_start3A_40 : memref<1x125x80xi32, #tpu.memory_space<hbm>> -> memref<125x80xi32, #tpu.memory_space<hbm>>
      tpu.enqueue_dma source(%dma_start3A_41 : memref<125x80xi32, #tpu.memory_space<hbm>>) target(%arg6 : memref<125x80xi32, #tpu.memory_space<vmem>>) target_semaphore(%run_scoped3A : memref<!tpu.dma_semaphore, #tpu.memory_space<semaphore_mem>>)
      %dma_wait3A = arith.constant 0 : i32
      %dma_wait3A_42 = arith.constant 0 : i32
      %dma_wait3A_43 = tpu.memref_slice %arg3[%arg1, %dma_wait3A, %dma_wait3A_42] : memref<16x125x80xi32, #tpu.memory_space<hbm>> -> memref<1x125x80xi32, #tpu.memory_space<hbm>>
      %dma_wait3A_44 = tpu.memref_squeeze %dma_wait3A_43 : memref<1x125x80xi32, #tpu.memory_space<hbm>> -> memref<125x80xi32, #tpu.memory_space<hbm>>
      %dma_wait3A_45 = arith.constant 0 : i32
      %dma_wait3A_46 = arith.constant 0 : i32
      %dma_wait3A_47 = tpu.memref_slice %arg3[%arg1, %dma_wait3A_45, %dma_wait3A_46] : memref<16x125x80xi32, #tpu.memory_space<hbm>> -> memref<1x125x80xi32, #tpu.memory_space<hbm>>
      %dma_wait3A_48 = tpu.memref_squeeze %dma_wait3A_47 : memref<1x125x80xi32, #tpu.memory_space<hbm>> -> memref<125x80xi32, #tpu.memory_space<hbm>>
      tpu.wait_dma2 semaphore(%run_scoped3A : memref<!tpu.dma_semaphore, #tpu.memory_space<semaphore_mem>>) src(%dma_wait3A_48 : memref<125x80xi32, #tpu.memory_space<hbm>>) dst(%arg6 : memref<125x80xi32, #tpu.memory_space<vmem>>)
      tpu.yield
    }) : () -> ()
    "tpu.region"() ({
      %run_scoped3A = tpu.sem_alloc : memref<!tpu.dma_semaphore, #tpu.memory_space<semaphore_mem>>
      %dma_start3A = arith.constant 0 : i32
      %dma_start3A_35 = arith.constant 0 : i32
      %dma_start3A_36 = tpu.memref_slice %arg4[%arg1, %dma_start3A, %dma_start3A_35] : memref<16x125x80xi32, #tpu.memory_space<hbm>> -> memref<1x125x80xi32, #tpu.memory_space<hbm>>
      %dma_start3A_37 = tpu.memref_squeeze %dma_start3A_36 : memref<1x125x80xi32, #tpu.memory_space<hbm>> -> memref<125x80xi32, #tpu.memory_space<hbm>>
      %dma_start3A_38 = arith.constant 0 : i32
      %dma_start3A_39 = arith.constant 0 : i32
      %dma_start3A_40 = tpu.memref_slice %arg4[%arg1, %dma_start3A_38, %dma_start3A_39] : memref<16x125x80xi32, #tpu.memory_space<hbm>> -> memref<1x125x80xi32, #tpu.memory_space<hbm>>
      %dma_start3A_41 = tpu.memref_squeeze %dma_start3A_40 : memref<1x125x80xi32, #tpu.memory_space<hbm>> -> memref<125x80xi32, #tpu.memory_space<hbm>>
      tpu.enqueue_dma source(%dma_start3A_41 : memref<125x80xi32, #tpu.memory_space<hbm>>) target(%arg7 : memref<125x80xi32, #tpu.memory_space<vmem>>) target_semaphore(%run_scoped3A : memref<!tpu.dma_semaphore, #tpu.memory_space<semaphore_mem>>)
      %dma_wait3A = arith.constant 0 : i32
      %dma_wait3A_42 = arith.constant 0 : i32
      %dma_wait3A_43 = tpu.memref_slice %arg4[%arg1, %dma_wait3A, %dma_wait3A_42] : memref<16x125x80xi32, #tpu.memory_space<hbm>> -> memref<1x125x80xi32, #tpu.memory_space<hbm>>
      %dma_wait3A_44 = tpu.memref_squeeze %dma_wait3A_43 : memref<1x125x80xi32, #tpu.memory_space<hbm>> -> memref<125x80xi32, #tpu.memory_space<hbm>>
      %dma_wait3A_45 = arith.constant 0 : i32
      %dma_wait3A_46 = arith.constant 0 : i32
      %dma_wait3A_47 = tpu.memref_slice %arg4[%arg1, %dma_wait3A_45, %dma_wait3A_46] : memref<16x125x80xi32, #tpu.memory_space<hbm>> -> memref<1x125x80xi32, #tpu.memory_space<hbm>>
      %dma_wait3A_48 = tpu.memref_squeeze %dma_wait3A_47 : memref<1x125x80xi32, #tpu.memory_space<hbm>> -> memref<125x80xi32, #tpu.memory_space<hbm>>
      tpu.wait_dma2 semaphore(%run_scoped3A : memref<!tpu.dma_semaphore, #tpu.memory_space<semaphore_mem>>) src(%dma_wait3A_48 : memref<125x80xi32, #tpu.memory_space<hbm>>) dst(%arg7 : memref<125x80xi32, #tpu.memory_space<vmem>>)
      tpu.yield
    }) : () -> ()
    %mul3A = arith.constant 10000 : i32
    %mul3A_13 = arith.muli %arg0, %mul3A : i32
    %broadcast_in_dim3A = vector.broadcast %mul3A_13 : i32 to vector<16xi32>
    %scan3A_14 = arith.constant 0 : i32
    %scan3A_15 = arith.constant 0 : i32
    %scan3A_16 = arith.constant 125 : i32
    %scan3A_17 = arith.addi %scan3A_15, %scan3A_16 : i32
    %scan3A_18 = arith.constant 1 : i32
    %scan3A_19 = scf.for %scan3A_35 = %scan3A_15 to %scan3A_17 step %scan3A_18 iter_args(%scan3A_36 = %scan3A_14) -> (i32)  : i32 {
      %get3A = arith.index_cast %scan3A_35 : i32 to index
      %get3A_37 = arith.constant 0 : index
      %get3A_38 = tpu.vector_load %arg6[%get3A, %get3A_37] {strides = array<i32>} : memref<125x80xi32, #tpu.memory_space<vmem>>, vector<1x16xi32>,
      %get3A_39 = vector.shape_cast %get3A_38 : vector<1x16xi32> to vector<16xi32>
      %add3A_40 = arith.addi %get3A_39, %broadcast_in_dim3A : vector<16xi32>
      %swap3A = arith.index_cast %scan3A_35 : i32 to index
      %swap3A_41 = arith.constant 0 : index
      %swap3A_42 = tpu.vector_load %arg6[%swap3A, %swap3A_41] {strides = array<i32>} : memref<125x80xi32, #tpu.memory_space<vmem>>, vector<1x16xi32>,
      %swap3A_43 = vector.shape_cast %swap3A_42 : vector<1x16xi32> to vector<16xi32>
      %swap3A_44 = vector.shape_cast %add3A_40 : vector<16xi32> to vector<1x16xi32>
      tpu.vector_store %arg6[%swap3A, %swap3A_41], %swap3A_44 {strides = array<i32>} : memref<125x80xi32, #tpu.memory_space<vmem>>, vector<1x16xi32>,
      %get3A_45 = arith.index_cast %scan3A_35 : i32 to index
      %get3A_46 = arith.constant 16 : index
      %get3A_47 = tpu.vector_load %arg6[%get3A_45, %get3A_46] {strides = array<i32>} : memref<125x80xi32, #tpu.memory_space<vmem>>, vector<1x16xi32>,
      %get3A_48 = vector.shape_cast %get3A_47 : vector<1x16xi32> to vector<16xi32>
      %add3A_49 = arith.addi %get3A_48, %broadcast_in_dim3A : vector<16xi32>
      %swap3A_50 = arith.index_cast %scan3A_35 : i32 to index
      %swap3A_51 = arith.constant 16 : index
      %swap3A_52 = tpu.vector_load %arg6[%swap3A_50, %swap3A_51] {strides = array<i32>} : memref<125x80xi32, #tpu.memory_space<vmem>>, vector<1x16xi32>,
      %swap3A_53 = vector.shape_cast %swap3A_52 : vector<1x16xi32> to vector<16xi32>
      %swap3A_54 = vector.shape_cast %add3A_49 : vector<16xi32> to vector<1x16xi32>
      tpu.vector_store %arg6[%swap3A_50, %swap3A_51], %swap3A_54 {strides = array<i32>} : memref<125x80xi32, #tpu.memory_space<vmem>>, vector<1x16xi32>,
      %get3A_55 = arith.index_cast %scan3A_35 : i32 to index
      %get3A_56 = arith.constant 32 : index
      %get3A_57 = tpu.vector_load %arg6[%get3A_55, %get3A_56] {strides = array<i32>} : memref<125x80xi32, #tpu.memory_space<vmem>>, vector<1x16xi32>,
      %get3A_58 = vector.shape_cast %get3A_57 : vector<1x16xi32> to vector<16xi32>
      %add3A_59 = arith.addi %get3A_58, %broadcast_in_dim3A : vector<16xi32>
      %swap3A_60 = arith.index_cast %scan3A_35 : i32 to index
      %swap3A_61 = arith.constant 32 : index
      %swap3A_62 = tpu.vector_load %arg6[%swap3A_60, %swap3A_61] {strides = array<i32>} : memref<125x80xi32, #tpu.memory_space<vmem>>, vector<1x16xi32>,
      %swap3A_63 = vector.shape_cast %swap3A_62 : vector<1x16xi32> to vector<16xi32>
      %swap3A_64 = vector.shape_cast %add3A_59 : vector<16xi32> to vector<1x16xi32>
      tpu.vector_store %arg6[%swap3A_60, %swap3A_61], %swap3A_64 {strides = array<i32>} : memref<125x80xi32, #tpu.memory_space<vmem>>, vector<1x16xi32>,
      %get3A_65 = arith.index_cast %scan3A_35 : i32 to index
      %get3A_66 = arith.constant 48 : index
      %get3A_67 = tpu.vector_load %arg6[%get3A_65, %get3A_66] {strides = array<i32>} : memref<125x80xi32, #tpu.memory_space<vmem>>, vector<1x16xi32>,
      %get3A_68 = vector.shape_cast %get3A_67 : vector<1x16xi32> to vector<16xi32>
      %add3A_69 = arith.addi %get3A_68, %broadcast_in_dim3A : vector<16xi32>
      %swap3A_70 = arith.index_cast %scan3A_35 : i32 to index
      %swap3A_71 = arith.constant 48 : index
      %swap3A_72 = tpu.vector_load %arg6[%swap3A_70, %swap3A_71] {strides = array<i32>} : memref<125x80xi32, #tpu.memory_space<vmem>>, vector<1x16xi32>,
      %swap3A_73 = vector.shape_cast %swap3A_72 : vector<1x16xi32> to vector<16xi32>
      %swap3A_74 = vector.shape_cast %add3A_69 : vector<16xi32> to vector<1x16xi32>
      tpu.vector_store %arg6[%swap3A_70, %swap3A_71], %swap3A_74 {strides = array<i32>} : memref<125x80xi32, #tpu.memory_space<vmem>>, vector<1x16xi32>,
      %get3A_75 = arith.index_cast %scan3A_35 : i32 to index
      %get3A_76 = arith.constant 64 : index
      %get3A_77 = tpu.vector_load %arg6[%get3A_75, %get3A_76] {strides = array<i32>} : memref<125x80xi32, #tpu.memory_space<vmem>>, vector<1x16xi32>,
      %get3A_78 = vector.shape_cast %get3A_77 : vector<1x16xi32> to vector<16xi32>
      %add3A_79 = arith.addi %get3A_78, %broadcast_in_dim3A : vector<16xi32>
      %swap3A_80 = arith.index_cast %scan3A_35 : i32 to index
      %swap3A_81 = arith.constant 64 : index
      %swap3A_82 = tpu.vector_load %arg6[%swap3A_80, %swap3A_81] {strides = array<i32>} : memref<125x80xi32, #tpu.memory_space<vmem>>, vector<1x16xi32>,
      %swap3A_83 = vector.shape_cast %swap3A_82 : vector<1x16xi32> to vector<16xi32>
      %swap3A_84 = vector.shape_cast %add3A_79 : vector<16xi32> to vector<1x16xi32>
      tpu.vector_store %arg6[%swap3A_80, %swap3A_81], %swap3A_84 {strides = array<i32>} : memref<125x80xi32, #tpu.memory_space<vmem>>, vector<1x16xi32>,
      %scan3A_85 = arith.constant 0 : i32
      scf.yield %scan3A_85 : i32
    }
    %scan3A_20 = arith.constant 125 : i32
    %barrier3A = arith.constant 0 : index
    tpu.barrier barrier_id(%barrier3A)
    %scan3A_21 = arith.constant 0 : i32
    %scan3A_22 = arith.constant 0 : i32
    %scan3A_23 = arith.constant 125 : i32
    %scan3A_24 = arith.addi %scan3A_22, %scan3A_23 : i32
    %scan3A_25 = arith.constant 1 : i32
    %scan3A_26 = scf.for %scan3A_35 = %scan3A_22 to %scan3A_24 step %scan3A_25 iter_args(%scan3A_36 = %scan3A_21) -> (i32)  : i32 {
      "tpu.region"() ({
        %run_scoped3A = tpu.sem_alloc : memref<!tpu.dma_semaphore, #tpu.memory_space<semaphore_mem>>
        %dma_start3A = arith.constant 0 : i32
        %dma_start3A_38 = tpu.memref_slice %arg6[%scan3A_35, %dma_start3A] : memref<125x80xi32, #tpu.memory_space<vmem>> -> memref<1x80xi32, #tpu.memory_space<vmem>>
        %dma_start3A_39 = tpu.memref_squeeze %dma_start3A_38 : memref<1x80xi32, #tpu.memory_space<vmem>> -> memref<80xi32, #tpu.memory_space<vmem>>
        %dma_start3A_40 = arith.constant 0 : i32
        %dma_start3A_41 = arith.constant 0 : i32
        %dma_start3A_42 = tpu.memref_slice %arg2[%dma_start3A_40, %dma_start3A_41] : memref<20000x128xf32, #tpu.memory_space<hbm>> -> memref<20000x128xf32, #tpu.memory_space<hbm>>
        tpu.enqueue_indirect_dma source(%dma_start3A_42 : memref<20000x128xf32, #tpu.memory_space<hbm>>) target(%arg8 : memref<80x128xf32, #tpu.memory_space<vmem>>) offsets(%dma_start3A_39 : memref<80xi32, #tpu.memory_space<vmem>>) semaphore(%run_scoped3A : memref<!tpu.dma_semaphore, #tpu.memory_space<semaphore_mem>>)
        %dma_wait3A = arith.constant 0 : i32
        %dma_wait3A_43 = tpu.memref_slice %arg6[%scan3A_35, %dma_wait3A] : memref<125x80xi32, #tpu.memory_space<vmem>> -> memref<1x80xi32, #tpu.memory_space<vmem>>
        %dma_wait3A_44 = tpu.memref_squeeze %dma_wait3A_43 : memref<1x80xi32, #tpu.memory_space<vmem>> -> memref<80xi32, #tpu.memory_space<vmem>>
        %dma_wait3A_45 = arith.constant 0 : i32
        %dma_wait3A_46 = arith.constant 0 : i32
        %dma_wait3A_47 = tpu.memref_slice %arg2[%dma_wait3A_45, %dma_wait3A_46] : memref<20000x128xf32, #tpu.memory_space<hbm>> -> memref<20000x128xf32, #tpu.memory_space<hbm>>
        tpu.wait_indirect_dma semaphore(%run_scoped3A : memref<!tpu.dma_semaphore, #tpu.memory_space<semaphore_mem>>) src(%dma_wait3A_47 : memref<20000x128xf32, #tpu.memory_space<hbm>>) dst(%arg8 : memref<80x128xf32, #tpu.memory_space<vmem>>)
        tpu.yield
      }) : () -> ()
      "tpu.region"() ({
        %run_scoped3A = tpu.sem_alloc : memref<!tpu.dma_semaphore, #tpu.memory_space<semaphore_mem>>
        %dma_start3A = arith.constant 0 : i32
        %dma_start3A_38 = tpu.memref_slice %arg7[%scan3A_35, %dma_start3A] : memref<125x80xi32, #tpu.memory_space<vmem>> -> memref<1x80xi32, #tpu.memory_space<vmem>>
        %dma_start3A_39 = tpu.memref_squeeze %dma_start3A_38 : memref<1x80xi32, #tpu.memory_space<vmem>> -> memref<80xi32, #tpu.memory_space<vmem>>
        %dma_start3A_40 = arith.constant 0 : i32
        %dma_start3A_41 = arith.constant 0 : i32
        %dma_start3A_42 = tpu.memref_slice %arg10[%dma_start3A_40, %dma_start3A_41] : memref<10112x128xf32, #tpu.memory_space<vmem_shared>> -> memref<10112x128xf32, #tpu.memory_space<vmem_shared>>
        tpu.enqueue_indirect_dma source(%arg8 : memref<80x128xf32, #tpu.memory_space<vmem>>) target(%dma_start3A_42 : memref<10112x128xf32, #tpu.memory_space<vmem_shared>>) offsets(%dma_start3A_39 : memref<80xi32, #tpu.memory_space<vmem>>) semaphore(%run_scoped3A : memref<!tpu.dma_semaphore, #tpu.memory_space<semaphore_mem>>) {add = true}
        %dma_wait3A = arith.constant 0 : i32
        %dma_wait3A_43 = tpu.memref_slice %arg7[%scan3A_35, %dma_wait3A] : memref<125x80xi32, #tpu.memory_space<vmem>> -> memref<1x80xi32, #tpu.memory_space<vmem>>
        %dma_wait3A_44 = tpu.memref_squeeze %dma_wait3A_43 : memref<1x80xi32, #tpu.memory_space<vmem>> -> memref<80xi32, #tpu.memory_space<vmem>>
        %dma_wait3A_45 = arith.constant 0 : i32
        %dma_wait3A_46 = arith.constant 0 : i32
        %dma_wait3A_47 = tpu.memref_slice %arg10[%dma_wait3A_45, %dma_wait3A_46] : memref<10112x128xf32, #tpu.memory_space<vmem_shared>> -> memref<10112x128xf32, #tpu.memory_space<vmem_shared>>
        tpu.wait_indirect_dma semaphore(%run_scoped3A : memref<!tpu.dma_semaphore, #tpu.memory_space<semaphore_mem>>) src(%arg8 : memref<80x128xf32, #tpu.memory_space<vmem>>) dst(%dma_wait3A_47 : memref<10112x128xf32, #tpu.memory_space<vmem_shared>>)
        tpu.yield
      }) : () -> ()
      %scan3A_37 = arith.constant 0 : i32
      scf.yield %scan3A_37 : i32
    }
    %scan3A_27 = arith.constant 125 : i32
    %barrier3A_28 = arith.constant 0 : index
    tpu.barrier barrier_id(%barrier3A_28)
    %mul3A_29 = arith.constant 632 : i32
    %mul3A_30 = arith.muli %arg1, %mul3A_29 : i32
    %mul3A_31 = arith.constant 10112 : i32
    %mul3A_32 = arith.muli %arg0, %mul3A_31 : i32
    %mul3A_33 = arith.constant 632 : i32
    %mul3A_34 = arith.muli %arg1, %mul3A_33 : i32
    %add3A = arith.addi %mul3A_32, %mul3A_34 : i32
    "tpu.region"() ({
      %run_scoped3A = tpu.sem_alloc : memref<!tpu.dma_semaphore, #tpu.memory_space<semaphore_mem>>
      %dma_start3A = arith.constant 0 : i32
      %dma_start3A_35 = tpu.memref_slice %arg5[%add3A, %dma_start3A] : memref<20224x128xf32, #tpu.memory_space<hbm>> -> memref<632x128xf32, #tpu.memory_space<hbm>>
      %dma_start3A_36 = arith.constant 0 : i32
      %dma_start3A_37 = tpu.memref_slice %arg10[%mul3A_30, %dma_start3A_36] : memref<10112x128xf32, #tpu.memory_space<vmem_shared>> -> memref<632x128xf32, #tpu.memory_space<vmem_shared>>
      tpu.enqueue_dma source(%dma_start3A_37 : memref<632x128xf32, #tpu.memory_space<vmem_shared>>) target(%dma_start3A_35 : memref<632x128xf32, #tpu.memory_space<hbm>>) target_semaphore(%run_scoped3A : memref<!tpu.dma_semaphore, #tpu.memory_space<semaphore_mem>>)
      %dma_wait3A = arith.constant 0 : i32
      %dma_wait3A_38 = tpu.memref_slice %arg5[%add3A, %dma_wait3A] : memref<20224x128xf32, #tpu.memory_space<hbm>> -> memref<632x128xf32, #tpu.memory_space<hbm>>
      %dma_wait3A_39 = arith.constant 0 : i32
      %dma_wait3A_40 = tpu.memref_slice %arg10[%mul3A_30, %dma_wait3A_39] : memref<10112x128xf32, #tpu.memory_space<vmem_shared>> -> memref<632x128xf32, #tpu.memory_space<vmem_shared>>
      tpu.wait_dma2 semaphore(%run_scoped3A : memref<!tpu.dma_semaphore, #tpu.memory_space<semaphore_mem>>) src(%dma_wait3A_40 : memref<632x128xf32, #tpu.memory_space<vmem_shared>>) dst(%dma_wait3A_38 : memref<632x128xf32, #tpu.memory_space<hbm>>)
      tpu.yield
    }) : () -> ()
    return
  }
}

module attributes {stable_mosaic.version = 14 : i64} {
  func.func @_tc_first_body(%arg0: i32, %arg1: memref<1000x256xf32, #tpu.memory_space<vmem>>, %arg2: memref<256x256xf32, #tpu.memory_space<vmem>>, %arg3: memref<2x1000x128xf32, #tpu.memory_space<vmem>>, %arg4: memref<2x1000x128xf32, #tpu.memory_space<vmem>>) attributes {dimension_semantics = [#tpu.dimension_semantics<arbitrary>], iteration_bounds = array<i64: 10>, scalar_prefetch = 0 : i64, scratch_operands = 0 : i64, tpu.core_type = #tpu.core_type<tc>, window_params = [{transform_indices = @transform_0, window_bounds = array<i64: 1000, 256>}, {pipeline_mode = #tpu.pipeline_mode<synchronous>, transform_indices = @transform_1, window_bounds = array<i64: 256, 256>}, {transform_indices = @transform_2, window_bounds = array<i64: 2, 1000, 128>}, {transform_indices = @transform_3, window_bounds = array<i64: 2, 1000, 128>}]} {
    %get3A = arith.constant 0 : index
    %get3A_0 = arith.constant 0 : index
    %get3A_1 = arith.constant 0 : index
    %get3A_2 = vector.load %arg3[%get3A, %get3A_0, %get3A_1] : memref<2x1000x128xf32, #tpu.memory_space<vmem>>, vector<2x1000x128xf32>
    %slice3A = vector.extract_strided_slice %get3A_2 {offsets = [0, 0, 0], sizes = [1, 1000, 1], strides = [1, 1, 1]} : vector<2x1000x128xf32> to vector<1x1000x1xf32>
    %squeeze3A = vector.shape_cast %slice3A : vector<1x1000x1xf32> to vector<1000x1xf32>
    %slice3A_3 = vector.extract_strided_slice %get3A_2 {offsets = [1, 0, 0], sizes = [1, 1000, 1], strides = [1, 1, 1]} : vector<2x1000x128xf32> to vector<1x1000x1xf32>
    %squeeze3A_4 = vector.shape_cast %slice3A_3 : vector<1x1000x1xf32> to vector<1000x1xf32>
    %add3A = arith.addf %squeeze3A, %squeeze3A_4 : vector<1000x1xf32>
    %add3A_5 = arith.constant 1.000000e+00 : f32
    %add3A_6 = vector.broadcast %add3A_5 : f32 to vector<1000x1xf32>
    %add3A_7 = arith.addf %add3A, %add3A_6 : vector<1000x1xf32>
    %rsqrt3A = math.rsqrt %add3A_7 : vector<1000x1xf32>
    %get3A_8 = arith.constant 0 : index
    %get3A_9 = arith.constant 0 : index
    %get3A_10 = vector.load %arg1[%get3A_8, %get3A_9] : memref<1000x256xf32, #tpu.memory_space<vmem>>, vector<1000x256xf32>
    %get3A_11 = arith.constant 0 : index
    %get3A_12 = arith.constant 0 : index
    %get3A_13 = vector.load %arg2[%get3A_11, %get3A_12] : memref<256x256xf32, #tpu.memory_space<vmem>>, vector<256x256xf32>
    %dot_general3A = arith.constant dense<0.000000e+00> : vector<1000x256xf32>
    %dot_general3A_14 = tpu.matmul %get3A_10, %get3A_13, %dot_general3A {dimension_numbers = #tpu.dot_dimension_numbers<[1], [0], [0], [1], [0, 0, 1, 1], [], []>, transpose_lhs_hint = false} : vector<1000x256xf32>, vector<256x256xf32>, vector<1000x256xf32> -> vector<1000x256xf32>
    %mul3A = vector.broadcast %rsqrt3A : vector<1000x1xf32> to vector<1000x256xf32>
    %mul3A_15 = arith.mulf %dot_general3A_14, %mul3A : vector<1000x256xf32>
    %slice3A_16 = vector.extract_strided_slice %mul3A_15 {offsets = [0, 0], sizes = [1000, 128], strides = [1, 1]} : vector<1000x256xf32> to vector<1000x128xf32>
    %swap3A = arith.constant 0 : index
    %swap3A_17 = arith.constant 0 : index
    %swap3A_18 = arith.constant 0 : index
    %swap3A_19 = vector.load %arg4[%swap3A, %swap3A_17, %swap3A_18] : memref<2x1000x128xf32, #tpu.memory_space<vmem>>, vector<1x1000x128xf32>
    %swap3A_20 = vector.shape_cast %swap3A_19 : vector<1x1000x128xf32> to vector<1000x128xf32>
    %swap3A_21 = vector.shape_cast %slice3A_16 : vector<1000x128xf32> to vector<1x1000x128xf32>
    tpu.vector_store %arg4[%swap3A, %swap3A_17, %swap3A_18], %swap3A_21 {strides = array<i32>} : memref<2x1000x128xf32, #tpu.memory_space<vmem>>, vector<1x1000x128xf32>,
    %slice3A_22 = vector.extract_strided_slice %mul3A_15 {offsets = [0, 128], sizes = [1000, 128], strides = [1, 1]} : vector<1000x256xf32> to vector<1000x128xf32>
    %swap3A_23 = arith.constant 1 : index
    %swap3A_24 = arith.constant 0 : index
    %swap3A_25 = arith.constant 0 : index
    %swap3A_26 = vector.load %arg4[%swap3A_23, %swap3A_24, %swap3A_25] : memref<2x1000x128xf32, #tpu.memory_space<vmem>>, vector<1x1000x128xf32>
    %swap3A_27 = vector.shape_cast %swap3A_26 : vector<1x1000x128xf32> to vector<1000x128xf32>
    %swap3A_28 = vector.shape_cast %slice3A_22 : vector<1000x128xf32> to vector<1x1000x128xf32>
    tpu.vector_store %arg4[%swap3A_23, %swap3A_24, %swap3A_25], %swap3A_28 {strides = array<i32>} : memref<2x1000x128xf32, #tpu.memory_space<vmem>>, vector<1x1000x128xf32>,
    return
  }
  func.func @transform_0(%arg0: i32) -> (i32, i32) {
    %c0_i32 = arith.constant 0 : i32
    %c0_i32_0 = arith.constant 0 : i32
    return %arg0, %c0_i32 : i32, i32
  }
  func.func @transform_1(%arg0: i32) -> (i32, i32) {
    %c0_i32 = arith.constant 0 : i32
    %c0_i32_0 = arith.constant 0 : i32
    %c0_i32_1 = arith.constant 0 : i32
    return %c0_i32, %c0_i32_0 : i32, i32
  }
  func.func @transform_2(%arg0: i32) -> (i32, i32, i32) {
    %c0_i32 = arith.constant 0 : i32
    %c0_i32_0 = arith.constant 0 : i32
    %c0_i32_1 = arith.constant 0 : i32
    return %c0_i32, %arg0, %c0_i32_0 : i32, i32, i32
  }
  func.func @transform_3(%arg0: i32) -> (i32, i32, i32) {
    %c0_i32 = arith.constant 0 : i32
    %c0_i32_0 = arith.constant 0 : i32
    %c0_i32_1 = arith.constant 0 : i32
    return %c0_i32, %arg0, %c0_i32_0 : i32, i32, i32
  }
}

module attributes {stable_mosaic.version = 14 : i64} {
  func.func @_tc_mid_body(%arg0: i32, %arg1: memref<2x1000x128xf32, #tpu.memory_space<vmem>>, %arg2: memref<2x1000x128xf32, #tpu.memory_space<vmem>>, %arg3: memref<2x1000x128xf32, #tpu.memory_space<vmem>>, %arg4: memref<1x256xf32, #tpu.memory_space<vmem>>, %arg5: memref<256x256xf32, #tpu.memory_space<vmem>>, %arg6: memref<2x1000x128xf32, #tpu.memory_space<vmem>>) attributes {dimension_semantics = [#tpu.dimension_semantics<arbitrary>], iteration_bounds = array<i64: 10>, scalar_prefetch = 0 : i64, scratch_operands = 0 : i64, tpu.core_type = #tpu.core_type<tc>, window_params = [{transform_indices = @transform_0, window_bounds = array<i64: 2, 1000, 128>}, {transform_indices = @transform_1, window_bounds = array<i64: 2, 1000, 128>}, {transform_indices = @transform_2, window_bounds = array<i64: 2, 1000, 128>}, {pipeline_mode = #tpu.pipeline_mode<synchronous>, transform_indices = @transform_3, window_bounds = array<i64: 1, 256>}, {pipeline_mode = #tpu.pipeline_mode<synchronous>, transform_indices = @transform_4, window_bounds = array<i64: 256, 256>}, {transform_indices = @transform_5, window_bounds = array<i64: 2, 1000, 128>}]} {
    %get3A = arith.constant 0 : index
    %get3A_0 = arith.constant 0 : index
    %get3A_1 = arith.constant 0 : index
    %get3A_2 = vector.load %arg3[%get3A, %get3A_0, %get3A_1] : memref<2x1000x128xf32, #tpu.memory_space<vmem>>, vector<2x1000x128xf32>
    %slice3A = vector.extract_strided_slice %get3A_2 {offsets = [0, 0, 0], sizes = [1, 1000, 1], strides = [1, 1, 1]} : vector<2x1000x128xf32> to vector<1x1000x1xf32>
    %squeeze3A = vector.shape_cast %slice3A : vector<1x1000x1xf32> to vector<1000x1xf32>
    %slice3A_3 = vector.extract_strided_slice %get3A_2 {offsets = [1, 0, 0], sizes = [1, 1000, 1], strides = [1, 1, 1]} : vector<2x1000x128xf32> to vector<1x1000x1xf32>
    %squeeze3A_4 = vector.shape_cast %slice3A_3 : vector<1x1000x1xf32> to vector<1000x1xf32>
    %add3A = arith.addf %squeeze3A, %squeeze3A_4 : vector<1000x1xf32>
    %add3A_5 = arith.constant 1.000000e+00 : f32
    %add3A_6 = vector.broadcast %add3A_5 : f32 to vector<1000x1xf32>
    %add3A_7 = arith.addf %add3A, %add3A_6 : vector<1000x1xf32>
    %rsqrt3A = math.rsqrt %add3A_7 : vector<1000x1xf32>
    %get3A_8 = arith.constant 0 : index
    %get3A_9 = arith.constant 0 : index
    %get3A_10 = arith.constant 0 : index
    %get3A_11 = vector.load %arg1[%get3A_8, %get3A_9, %get3A_10] : memref<2x1000x128xf32, #tpu.memory_space<vmem>>, vector<2x1000x128xf32>
    %get3A_12 = arith.constant 0 : index
    %get3A_13 = arith.constant 0 : index
    %get3A_14 = arith.constant 0 : index
    %get3A_15 = vector.load %arg2[%get3A_12, %get3A_13, %get3A_14] : memref<2x1000x128xf32, #tpu.memory_space<vmem>>, vector<2x1000x128xf32>
    %add3A_16 = arith.addf %get3A_11, %get3A_15 : vector<2x1000x128xf32>
    %slice3A_17 = vector.extract_strided_slice %add3A_16 {offsets = [0, 0, 0], sizes = [1, 1000, 128], strides = [1, 1, 1]} : vector<2x1000x128xf32> to vector<1x1000x128xf32>
    %squeeze3A_18 = vector.shape_cast %slice3A_17 : vector<1x1000x128xf32> to vector<1000x128xf32>
    %slice3A_19 = vector.extract_strided_slice %add3A_16 {offsets = [1, 0, 0], sizes = [1, 1000, 128], strides = [1, 1, 1]} : vector<2x1000x128xf32> to vector<1x1000x128xf32>
    %squeeze3A_20 = vector.shape_cast %slice3A_19 : vector<1x1000x128xf32> to vector<1000x128xf32>
    %concatenate3A = tpu.concatenate %squeeze3A_18, %squeeze3A_20 in 1 : vector<1000x128xf32>, vector<1000x128xf32> -> vector<1000x256xf32>
    %mul3A = vector.broadcast %rsqrt3A : vector<1000x1xf32> to vector<1000x256xf32>
    %mul3A_21 = arith.mulf %concatenate3A, %mul3A : vector<1000x256xf32>
    %get3A_22 = arith.constant 0 : index
    %get3A_23 = arith.constant 0 : index
    %get3A_24 = vector.load %arg4[%get3A_22, %get3A_23] : memref<1x256xf32, #tpu.memory_space<vmem>>, vector<1x256xf32>
    %add3A_25 = vector.broadcast %get3A_24 : vector<1x256xf32> to vector<1000x256xf32>
    %add3A_26 = arith.addf %mul3A_21, %add3A_25 : vector<1000x256xf32>
    %max3A = arith.constant 0.000000e+00 : f32
    %max3A_27 = vector.broadcast %max3A : f32 to vector<1000x256xf32>
    %max3A_28 = arith.maximumf %add3A_26, %max3A_27 : vector<1000x256xf32>
    %get3A_29 = arith.constant 0 : index
    %get3A_30 = arith.constant 0 : index
    %get3A_31 = vector.load %arg5[%get3A_29, %get3A_30] : memref<256x256xf32, #tpu.memory_space<vmem>>, vector<256x256xf32>
    %dot_general3A = arith.constant dense<0.000000e+00> : vector<1000x256xf32>
    %dot_general3A_32 = tpu.matmul %max3A_28, %get3A_31, %dot_general3A {dimension_numbers = #tpu.dot_dimension_numbers<[1], [0], [0], [1], [0, 0, 1, 1], [], []>, transpose_lhs_hint = false} : vector<1000x256xf32>, vector<256x256xf32>, vector<1000x256xf32> -> vector<1000x256xf32>
    %mul3A_33 = vector.broadcast %rsqrt3A : vector<1000x1xf32> to vector<1000x256xf32>
    %mul3A_34 = arith.mulf %dot_general3A_32, %mul3A_33 : vector<1000x256xf32>
    %slice3A_35 = vector.extract_strided_slice %mul3A_34 {offsets = [0, 0], sizes = [1000, 128], strides = [1, 1]} : vector<1000x256xf32> to vector<1000x128xf32>
    %swap3A = arith.constant 0 : index
    %swap3A_36 = arith.constant 0 : index
    %swap3A_37 = arith.constant 0 : index
    %swap3A_38 = vector.load %arg6[%swap3A, %swap3A_36, %swap3A_37] : memref<2x1000x128xf32, #tpu.memory_space<vmem>>, vector<1x1000x128xf32>
    %swap3A_39 = vector.shape_cast %swap3A_38 : vector<1x1000x128xf32> to vector<1000x128xf32>
    %swap3A_40 = vector.shape_cast %slice3A_35 : vector<1000x128xf32> to vector<1x1000x128xf32>
    tpu.vector_store %arg6[%swap3A, %swap3A_36, %swap3A_37], %swap3A_40 {strides = array<i32>} : memref<2x1000x128xf32, #tpu.memory_space<vmem>>, vector<1x1000x128xf32>,
    %slice3A_41 = vector.extract_strided_slice %mul3A_34 {offsets = [0, 128], sizes = [1000, 128], strides = [1, 1]} : vector<1000x256xf32> to vector<1000x128xf32>
    %swap3A_42 = arith.constant 1 : index
    %swap3A_43 = arith.constant 0 : index
    %swap3A_44 = arith.constant 0 : index
    %swap3A_45 = vector.load %arg6[%swap3A_42, %swap3A_43, %swap3A_44] : memref<2x1000x128xf32, #tpu.memory_space<vmem>>, vector<1x1000x128xf32>
    %swap3A_46 = vector.shape_cast %swap3A_45 : vector<1x1000x128xf32> to vector<1000x128xf32>
    %swap3A_47 = vector.shape_cast %slice3A_41 : vector<1000x128xf32> to vector<1x1000x128xf32>
    tpu.vector_store %arg6[%swap3A_42, %swap3A_43, %swap3A_44], %swap3A_47 {strides = array<i32>} : memref<2x1000x128xf32, #tpu.memory_space<vmem>>, vector<1x1000x128xf32>,
    return
  }
  func.func @transform_0(%arg0: i32) -> (i32, i32, i32) {
    %c0_i32 = arith.constant 0 : i32
    %c0_i32_0 = arith.constant 0 : i32
    %c0_i32_1 = arith.constant 0 : i32
    return %c0_i32, %arg0, %c0_i32_0 : i32, i32, i32
  }
  func.func @transform_1(%arg0: i32) -> (i32, i32, i32) {
    %c0_i32 = arith.constant 0 : i32
    %c0_i32_0 = arith.constant 0 : i32
    %c0_i32_1 = arith.constant 0 : i32
    return %c0_i32, %arg0, %c0_i32_0 : i32, i32, i32
  }
  func.func @transform_2(%arg0: i32) -> (i32, i32, i32) {
    %c0_i32 = arith.constant 0 : i32
    %c0_i32_0 = arith.constant 0 : i32
    %c0_i32_1 = arith.constant 0 : i32
    return %c0_i32, %arg0, %c0_i32_0 : i32, i32, i32
  }
  func.func @transform_3(%arg0: i32) -> (i32, i32) {
    %c0_i32 = arith.constant 0 : i32
    %c0_i32_0 = arith.constant 0 : i32
    %c0_i32_1 = arith.constant 0 : i32
    return %c0_i32, %c0_i32_0 : i32, i32
  }
  func.func @transform_4(%arg0: i32) -> (i32, i32) {
    %c0_i32 = arith.constant 0 : i32
    %c0_i32_0 = arith.constant 0 : i32
    %c0_i32_1 = arith.constant 0 : i32
    return %c0_i32, %c0_i32_0 : i32, i32
  }
  func.func @transform_5(%arg0: i32) -> (i32, i32, i32) {
    %c0_i32 = arith.constant 0 : i32
    %c0_i32_0 = arith.constant 0 : i32
    %c0_i32_1 = arith.constant 0 : i32
    return %c0_i32, %arg0, %c0_i32_0 : i32, i32, i32
  }
}

module attributes {stable_mosaic.version = 14 : i64} {
  func.func @_tc_out_body(%arg0: i32, %arg1: memref<2x1000x128xf32, #tpu.memory_space<vmem>>, %arg2: memref<2x1000x128xf32, #tpu.memory_space<vmem>>, %arg3: memref<2x1000x128xf32, #tpu.memory_space<vmem>>, %arg4: memref<1x256xf32, #tpu.memory_space<vmem>>, %arg5: memref<1000x256xf32, #tpu.memory_space<vmem>>) attributes {dimension_semantics = [#tpu.dimension_semantics<arbitrary>], iteration_bounds = array<i64: 10>, scalar_prefetch = 0 : i64, scratch_operands = 0 : i64, tpu.core_type = #tpu.core_type<tc>, window_params = [{transform_indices = @transform_0, window_bounds = array<i64: 2, 1000, 128>}, {transform_indices = @transform_1, window_bounds = array<i64: 2, 1000, 128>}, {transform_indices = @transform_2, window_bounds = array<i64: 2, 1000, 128>}, {pipeline_mode = #tpu.pipeline_mode<synchronous>, transform_indices = @transform_3, window_bounds = array<i64: 1, 256>}, {transform_indices = @transform_4, window_bounds = array<i64: 1000, 256>}]} {
    %get3A = arith.constant 0 : index
    %get3A_0 = arith.constant 0 : index
    %get3A_1 = arith.constant 0 : index
    %get3A_2 = vector.load %arg3[%get3A, %get3A_0, %get3A_1] : memref<2x1000x128xf32, #tpu.memory_space<vmem>>, vector<2x1000x128xf32>
    %slice3A = vector.extract_strided_slice %get3A_2 {offsets = [0, 0, 0], sizes = [1, 1000, 1], strides = [1, 1, 1]} : vector<2x1000x128xf32> to vector<1x1000x1xf32>
    %squeeze3A = vector.shape_cast %slice3A : vector<1x1000x1xf32> to vector<1000x1xf32>
    %slice3A_3 = vector.extract_strided_slice %get3A_2 {offsets = [1, 0, 0], sizes = [1, 1000, 1], strides = [1, 1, 1]} : vector<2x1000x128xf32> to vector<1x1000x1xf32>
    %squeeze3A_4 = vector.shape_cast %slice3A_3 : vector<1x1000x1xf32> to vector<1000x1xf32>
    %add3A = arith.addf %squeeze3A, %squeeze3A_4 : vector<1000x1xf32>
    %add3A_5 = arith.constant 1.000000e+00 : f32
    %add3A_6 = vector.broadcast %add3A_5 : f32 to vector<1000x1xf32>
    %add3A_7 = arith.addf %add3A, %add3A_6 : vector<1000x1xf32>
    %rsqrt3A = math.rsqrt %add3A_7 : vector<1000x1xf32>
    %get3A_8 = arith.constant 0 : index
    %get3A_9 = arith.constant 0 : index
    %get3A_10 = arith.constant 0 : index
    %get3A_11 = vector.load %arg1[%get3A_8, %get3A_9, %get3A_10] : memref<2x1000x128xf32, #tpu.memory_space<vmem>>, vector<2x1000x128xf32>
    %get3A_12 = arith.constant 0 : index
    %get3A_13 = arith.constant 0 : index
    %get3A_14 = arith.constant 0 : index
    %get3A_15 = vector.load %arg2[%get3A_12, %get3A_13, %get3A_14] : memref<2x1000x128xf32, #tpu.memory_space<vmem>>, vector<2x1000x128xf32>
    %add3A_16 = arith.addf %get3A_11, %get3A_15 : vector<2x1000x128xf32>
    %slice3A_17 = vector.extract_strided_slice %add3A_16 {offsets = [0, 0, 0], sizes = [1, 1000, 128], strides = [1, 1, 1]} : vector<2x1000x128xf32> to vector<1x1000x128xf32>
    %squeeze3A_18 = vector.shape_cast %slice3A_17 : vector<1x1000x128xf32> to vector<1000x128xf32>
    %slice3A_19 = vector.extract_strided_slice %add3A_16 {offsets = [1, 0, 0], sizes = [1, 1000, 128], strides = [1, 1, 1]} : vector<2x1000x128xf32> to vector<1x1000x128xf32>
    %squeeze3A_20 = vector.shape_cast %slice3A_19 : vector<1x1000x128xf32> to vector<1000x128xf32>
    %concatenate3A = tpu.concatenate %squeeze3A_18, %squeeze3A_20 in 1 : vector<1000x128xf32>, vector<1000x128xf32> -> vector<1000x256xf32>
    %mul3A = vector.broadcast %rsqrt3A : vector<1000x1xf32> to vector<1000x256xf32>
    %mul3A_21 = arith.mulf %concatenate3A, %mul3A : vector<1000x256xf32>
    %get3A_22 = arith.constant 0 : index
    %get3A_23 = arith.constant 0 : index
    %get3A_24 = vector.load %arg4[%get3A_22, %get3A_23] : memref<1x256xf32, #tpu.memory_space<vmem>>, vector<1x256xf32>
    %add3A_25 = vector.broadcast %get3A_24 : vector<1x256xf32> to vector<1000x256xf32>
    %add3A_26 = arith.addf %mul3A_21, %add3A_25 : vector<1000x256xf32>
    %swap3A = arith.constant 0 : index
    %swap3A_27 = arith.constant 0 : index
    %swap3A_28 = vector.load %arg5[%swap3A, %swap3A_27] : memref<1000x256xf32, #tpu.memory_space<vmem>>, vector<1000x256xf32>
    tpu.vector_store %arg5[%swap3A, %swap3A_27], %add3A_26 {strides = array<i32>} : memref<1000x256xf32, #tpu.memory_space<vmem>>, vector<1000x256xf32>,
    return
  }
  func.func @transform_0(%arg0: i32) -> (i32, i32, i32) {
    %c0_i32 = arith.constant 0 : i32
    %c0_i32_0 = arith.constant 0 : i32
    %c0_i32_1 = arith.constant 0 : i32
    return %c0_i32, %arg0, %c0_i32_0 : i32, i32, i32
  }
  func.func @transform_1(%arg0: i32) -> (i32, i32, i32) {
    %c0_i32 = arith.constant 0 : i32
    %c0_i32_0 = arith.constant 0 : i32
    %c0_i32_1 = arith.constant 0 : i32
    return %c0_i32, %arg0, %c0_i32_0 : i32, i32, i32
  }
  func.func @transform_2(%arg0: i32) -> (i32, i32, i32) {
    %c0_i32 = arith.constant 0 : i32
    %c0_i32_0 = arith.constant 0 : i32
    %c0_i32_1 = arith.constant 0 : i32
    return %c0_i32, %arg0, %c0_i32_0 : i32, i32, i32
  }
  func.func @transform_3(%arg0: i32) -> (i32, i32) {
    %c0_i32 = arith.constant 0 : i32
    %c0_i32_0 = arith.constant 0 : i32
    %c0_i32_1 = arith.constant 0 : i32
    return %c0_i32, %c0_i32_0 : i32, i32
  }
  func.func @transform_4(%arg0: i32) -> (i32, i32) {
    %c0_i32 = arith.constant 0 : i32
    %c0_i32_0 = arith.constant 0 : i32
    return %arg0, %c0_i32 : i32, i32
  }
}

</mosaic_0001>

<sc_bundles>
// kernel: kernel.11.cloned.1.call-start
scs
__scs_entry_jumppad:
0x0: {  	(pc) =	sbr.rel $0x88, $3  }
0x1: {  	(tag) =	ssettag $0x0;
	lr =	simm.s32 $0x1  }
0x2: {  	[smem:$0x3F9B] =	sst lr;
	_ =	strace $0xD0000000  }
0x3: {  	_ = 	snop  }
0x4: {  	_ = 	snop  }
0x5: {  	_ = 	snop  }
0x6: {  	_ = 	snop  }
0x7: {  	_ = 	snop  }
__scs_overlays_trampoline_lowered:
0x8: {  	[smem:$0x3FAA] =	sst s0  }
0x9: {  	[smem:$0x3FAB] =	sst s1  }
0xa: {  	[smem:$0x3FAC] =	sst s2  }
0xb: {  	[smem:$0x3FAD] =	sst s3  }
0xc: {  	[smem:$0x3FAE] =	sst s4  }
0xd: {  	[smem:$0x3FAF] =	sst s5  }
0xe: {  	[smem:$0x3FB0] =	sst s6  }
0xf: {  	[smem:$0x3FB1] =	sst s7  }
0x10: {  	[smem:$0x3FB2] =	sst s8  }
0x11: {  	[smem:$0x3FB3] =	sst s9;
	s0 =	simm.s32 @!p0 $0x0  }
0x12: {  	s1 =	sld [smem:$0x3F99];
	s0 =	simm.s32 @p0 $0x1  }
0x13: {  	[smem:$0x3FB4] =	sst s0;
	s0 =	simm.s32 @!p1 $0x0  }
0x14: {  	s2 =	sld [smem:$0x3F98];
	s0 =	simm.s32 @p1 $0x1  }
0x15: {  	[smem:$0x3FB5] =	sst s0;
	s0 =	simm.s32 @!p2 $0x0  }
0x16: {  	s3 =	sld [smem:$0x3FDB];
	s0 =	simm.s32 @p2 $0x1  }
0x17: {  	s4 =	simm.s32 $0x1BF5;
	[smem:$0x3FB7] =	sst s0  }
0x18: {  	s0 =	sld [smem:$0x3F9A];
	_ =	swait.ge [sflag:s4], $0x0  }
0x19: {  	s7 =	sld [smem:$0x3F9B]  }
0x1a: {  	s8 =	sadd.s32 $0xFFFFE003, lr  }
0x1b: {  	s9 =	sadd.s32 $0xFFFFFEF7, lr;
	s5 =	simm.s32 $0xFFFFFFFF;
	p2 =	slt.u32 s8, $0xFFFFF086  }
0x1c: {  	p1 =	slt.u32 s9, $0xF7A;
	s5 =	simm.s32 @!p2 $0x0  }
0x1d: {  	s5 =	simm.s32 @p1 $0x1;
	p0 =	seq.s32 s7, s2  }
0x1e: {  	s7 =	smul.u32 @!p0 $0xF7A, s2;
	p2 =	seq.s32 @!p0 s5, $0x0  }
0x1f: {  	s9 =	smul.u32 $0xF7A, s1;
	s8 =	simm.s32 @!p0 $0x1BF5;
	p2 =	por !p2, p0  }
0x20: {  	[sflag:s8] =	ssyncset.s32 @!p0 $0xFFFFF086;
	s6 =	sadd.s32 @!p0 s3, s7;
	s7 =	simm.s32 @!p0 $0x108  }
0x21: {  	s3 =	sadd.s32 s3, s9;
	s6 =	sadd.s32 @!p0 $0x88, s6;
	s7 =	simm.s32 @p2 $0x1082  }
0x22: {  	[simem:s7], [sflag:s8] =	dma.local @!p0 [hbm:s6], $0xF7A  }
0x23: {  	s9 =	sor.u32 $0xD0000000, s2;
	s6 =	simm.s32 $0x108;
	_ =	swait.ge @!p0 [sflag:s8], $0x0  }
0x24: {  	s3 =	sadd.s32 $0x88, s3;
	s6 =	simm.s32 @!p1 $0x1082;
	[sflag:s4] =	ssyncset.s32 $0xFFFFF086  }
0x25: {  	[simem:s6], [sflag:s4] =	dma.local [hbm:s3], $0xF7A  }
0x26: {  	[smem:$0x3F9B] =	sst s1;
	(tag) =	ssettag s2;
	_ =	strace s9  }
0x27: {  	s1 =	sld [smem:$0x3FAB]  }
0x28: {  	s2 =	sld [smem:$0x3FAC]  }
0x29: {  	s4 =	sld [smem:$0x3FAE]  }
0x2a: {  	p0 =	seq.s32 s5, $0x0;
	s5 =	sld [smem:$0x3FAF]  }
0x2b: {  	s6 =	sld [smem:$0x3FB0]  }
0x2c: {  	s7 =	sld [smem:$0x3FB1]  }
0x2d: {  	s3 =	simm.s32 $0x108;
	s8 =	sld [smem:$0x3FB2]  }
0x2e: {  	s3 =	simm.s32 @!p0 $0x1082;
	s9 =	sld [smem:$0x3FB3]  }
0x2f: {  	lr =	sadd.s32 s0, s3;
	s0 =	sld [smem:$0x3FAA]  }
0x30: {  	s3 =	sld [smem:$0x3FAD]  }
0x31: {  	[smem:$0x3FB6] =	sst s10  }
0x32: {  	s10 =	sld [smem:$0x3FB4];
	_ =	sdelay $0x3  }
0x33: {  	p0 =	seq.s32 s10, $0x1;
	s10 =	sld [smem:$0x3FB6];
	_ =	sdelay $0x3  }
0x34: {  	[smem:$0x3FB6] =	sst s10  }
0x35: {  	s10 =	sld [smem:$0x3FB5];
	_ =	sdelay $0x3  }
0x36: {  	p1 =	seq.s32 s10, $0x1;
	s10 =	sld [smem:$0x3FB6];
	_ =	sdelay $0x3  }
0x37: {  	[smem:$0x3FB6] =	sst s10  }
0x38: {  	s10 =	sld [smem:$0x3FB7]  }
0x39: {  	_ = 	snop;
	(pc) =	sbr.ind lr, $3  }
0x3a: {  	_ = 	snop  }
0x3b: {  	_ = 	snop  }
0x3c: {  	p2 =	seq.s32 s10, $0x1;
	s10 =	sld [smem:$0x3FB6]  }
0x3d: {  	_ =	shalt  }
0x3e: {  	_ =	shalt  }
0x3f: {  	_ =	shalt  }
0x40: {  	_ =	shalt  }
0x41: {  	_ =	shalt  }
0x42: {  	_ =	shalt  }
0x43: {  	_ =	shalt  }
0x44: {  	_ =	shalt  }
0x45: {  	_ =	shalt  }
0x46: {  	_ =	shalt  }
0x47: {  	_ =	shalt  }
0x48: {  	_ =	shalt  }
0x49: {  	_ =	shalt  }
0x4a: {  	_ =	shalt  }
0x4b: {  	_ =	shalt  }
0x4c: {  	_ =	shalt  }
0x4d: {  	_ =	shalt  }
0x4e: {  	_ =	shalt  }
0x4f: {  	_ =	shalt  }
0x50: {  	_ =	shalt  }
0x51: {  	_ =	shalt  }
0x52: {  	_ =	shalt  }
0x53: {  	_ =	shalt  }
0x54: {  	_ =	shalt  }
0x55: {  	_ =	shalt  }
0x56: {  	_ =	shalt  }
0x57: {  	_ =	shalt  }
0x58: {  	_ =	shalt  }
0x59: {  	_ =	shalt  }
0x5a: {  	_ =	shalt  }
0x5b: {  	_ =	shalt  }
0x5c: {  	_ =	shalt  }
0x5d: {  	_ =	shalt  }
0x5e: {  	_ =	shalt  }
0x5f: {  	_ =	shalt  }
0x60: {  	_ =	shalt  }
0x61: {  	_ =	shalt  }
0x62: {  	_ =	shalt  }
0x63: {  	_ =	shalt  }
0x64: {  	_ =	shalt  }
0x65: {  	_ =	shalt  }
0x66: {  	_ =	shalt  }
0x67: {  	_ =	shalt  }
0x68: {  	_ =	shalt  }
0x69: {  	_ =	shalt  }
0x6a: {  	_ =	shalt  }
0x6b: {  	_ =	shalt  }
0x6c: {  	_ =	shalt  }
0x6d: {  	_ =	shalt  }
0x6e: {  	_ =	shalt  }
0x6f: {  	_ =	shalt  }
0x70: {  	_ =	shalt  }
0x71: {  	_ =	shalt  }
0x72: {  	_ =	shalt  }
0x73: {  	_ =	shalt  }
0x74: {  	_ =	shalt  }
0x75: {  	_ =	shalt  }
0x76: {  	_ =	shalt  }
0x77: {  	_ =	shalt  }
0x78: {  	_ =	shalt  }
0x79: {  	_ =	shalt  }
0x7a: {  	_ =	shalt  }
0x7b: {  	_ =	shalt  }
0x7c: {  	_ =	shalt  }
0x7d: {  	_ =	shalt  }
0x7e: {  	_ =	shalt  }
0x7f: {  	_ =	shalt  }
0x80: {  	_ =	shalt  }
0x81: {  	_ =	shalt  }
0x82: {  	_ =	shalt  }
0x83: {  	_ =	shalt  }
0x84: {  	_ =	shalt  }
0x85: {  	_ =	shalt  }
0x86: {  	_ =	shalt  }
0x87: {  	_ =	shalt  }
.Lfunc_end0:
.L_simem_size_0:
called_computation.1_lowered:
.L_overlay_start_0:
0x88: {  	s2 =	sld [smem:$0x3FD9]  }
0x89: {  	s3 =	sld [smem:$0x3FFE];
	_ =	sdelay $0x1  }
0x8a: {  	s1 =	srdreg.scid  }
0x8b: {  	s0 =	sand.u32 $0x1, s1  }
0x8c: {  	s17 =	sshll.u32 s0, $0xA;
	s2 =	sadd.s32 s3, s2  }
0x8d: {  	s2 =	sadd.s32 s2, s17  }
0x8e: {  	[smem:$0x3FC2] =	sst s2  }
0x8f: {  	_ = 	snop  }
0x90: {  	s2 =	sld [smem:$0x3FD0];
	(tm) =	ssettm $0x1  }
0x91: {  	s18 =	sld [smem:$0x3FFB];
	_ =	sdelay $0x3  }
0x92: {  	_ =	strace s18  }
0x93: {  	s3 =	sld [smem:$0x3FFC];
	_ =	sdelay $0x3  }
0x94: {  	_ =	strace s3  }
0x95: {  	s3 =	sld [smem:$0x3FFD];
	_ =	sdelay $0x3  }
0x96: {  	_ =	strace s3  }
0x97: {  	_ =	strace $0x8FFFFFFF  }
0x98: {  	s19 =	sld [smem:$0x3FDB];
	_ =	sdelay $0x1  }
0x99: {  	s4 =	simm.s32 $_scs_section_size  }
0x9a: {  	s5 =	simm.s32 $_size__tile_overlayer_lowered;
	s6 =	simm.s32 $_tile_overlayer_lowered  }
0x9b: {  	s22 =	simm.s32 $0x1BFF;
	s21 =	sshll.u32 s6, $0x1;
	s3 =	sadd.s32 s4, s19  }
0x9c: {  	s7 =	simm.s32 $0x0;
	s20 =	sshll.u32 s5, $0x1;
	s5 =	sadd.s32 s21, s3  }
0x9d: {  	[timem:s7], [sflag:s22] =	dma.local [hbm:s5], s20  }
0x9e: {  	_ =	swait.ge [sflag:s22], s20  }
0x9f: {  	s4 =	ssub.s32 $0x0, s20;
	[sflag:s22] =	ssyncset.done $0x0  }
0xa0: {  	[sflag:s22] =	ssyncadd.s32 s4;
	_ =	sdelay $0x1  }
0xa1: {  	s23 =	simm.s32 $0x1B8B  }
0xa2: {  	_ =	swait.ge [sflag:s23], $0x1  }
0xa3: {  	[sflag:s23] =	ssyncset.done $0x0  }
0xa4: {  	s25 =	simm.s32 $0x1B8E;
	s24 =	sld [smem:$0x3FFE];
	[sflag:s23] =	ssyncadd.s32 $0xFFFFFFFF  }
0xa5: {  	s26 =	simm.s32 $execute0_lowered;
	[smem:$0x3FD2] =	sst s25  }
0xa6: {  	s5 =	sshll.u32 s26, $0x1;
	_ =	strace $0x80000049;
	[dreg:$0x1] =	wrdreg $0xFFFFFFFF  }
0xa7: {  	s28 =	simm.s32 $_size_execute0_lowered;
	s3 =	sadd.s32 s3, s5;
	[dreg:$0x0] =	wrdreg $0x0  }
0xa8: {  	s5 =	sshll.u32 s28, $0x1;
	[dreg:$0x2] =	wrdreg s3  }
0xa9: {  	[dreg:$0x3] =	wrdreg s5  }
0xaa: {  	[dreg:$0x4] =	wrdreg $0xC0  }
0xab: {  	_ =	task [dreg:s7], $0x5FFFF  }
0xac: {  	[dreg:$0x1] =	wrdreg $0xFFFFFFFF  }
0xad: {  	[dreg:$0x0] =	wrdreg $0x60  }
0xae: {  	[dreg:$0x2] =	wrdreg s2  }
0xaf: {  	[dreg:$0x3] =	wrdreg s24  }
0xb0: {  	[dreg:$0x4] =	wrdreg $0xAC000  }
0xb1: {  	[dreg:$0x5] =	wrdreg $0x9  }
0xb2: {  	_ =	task.clear_ibuf [dreg:s7], $0x6FFFF;
	_ =	strace $0x90000049  }
0xb3: {  	s29 =	simm.s32 $0x9;
	_ =	strace $0x8000004B  }
0xb4: {  	_ =	swait.ge [sflag:s29], $0x1  }
0xb5: {  	[sflag:s29] =	ssyncadd.s32 $0xFFFFFFFF  }
0xb6: {  	_ =	strace $0x9000004B  }
0xb7: {  	_ =	sfence  }
0xb8: {  	s30 =	sld [smem:$0x0];
	_ =	sdelay $0x2  }
0xb9: {  	s31 =	sshll.u32 s1, $0xD;
	s1 =	sshrl.u32 s1, $0x2  }
0xba: {  	s3 =	sand.u32 $0x4000, s31;
	s1 =	sadd.s32 s1, s30  }
0xbb: {  	s0 =	sor.u32 s3, s0;
	s1 =	sshll.u32 s1, $0x11  }
0xbc: {  	s0 =	sor.u32 s1, s0  }
0xbd: {  	s0 =	sadd.s32 $0x8F2B, s0  }
0xbe: {  	[sflag:s0] =	ssyncadd.remote.s32 $0x1  }
0xbf: {  	_ =	sfence.sel $0xFFFF  }
0xc0: {  	[dreg:$0x0] =	wrdreg $0xFFFFFFFF;
	(pc) =	sbr.abs _section_cstart, $3  }
0xc1: {  	[dreg:$0x1] =	wrdreg $0xFFFFFFFF  }
0xc2: {  	_ =	task.clear_ibuf [dreg:s7], $0x2FFFF;
	_ =	strace $0x9FFFFFFF  }
0xc3: {  	(tm) =	ssettm $0x7FFFFFFF  }
tec
execute0_lowered:
.L_overlay_start_1:
0x0: {  	(tag) =	ssettag $0x1  }
0x1: {  	s1 =	rddreg [dreg:$0x0]  }
0x2: {  	s5 =	rddreg [dreg:$0x1]  }
0x3: {  	s2 =	rddreg [dreg:$0x2]  }
0x4: {  	s3 =	srdreg.scid;
	s0 =	rddreg [dreg:$0x3]  }
0x5: {  	s4 =	simm.s32 $0x0;
	s8 =	sand.u32 $0x1, s3;
	s3 =	stileid.u32  }
0x6: {  	s12 =	simm.s32 $0x4000;
	[smem:$0x7FF] =	sst s4;
	s6 =	smul.u32 $0x27800, s8  }
0x7: {  	s13 =	simm.s32 $0x50;
	s7 =	smul.u32 $0x2780, s3;
	_ =	strace $0x8000004A  }
0x8: {  	s9 =	sshll.u32 s3, $0xB;
	s10 =	smul.u32 $0x4F000, s3;
	s28 =	ssub.s32 $0x2, s8  }
0x9: {  	s14 =	smul.u32 $0x2710, s8;
	s15 =	sshll.u32 s3, $0x6;
	s9 =	sadd.s32 s9, s5  }
0xa: {  	s29 =	sshrl.u32 s28, $0x1;
	s15 =	sor.u32 $0x1C01, s15;
	s6 =	sadd.s32 s7, s6  }
0xb: {  	s30 =	sshrl.u32 s10, $0x2;
	s31 =	ssub.s32 s28, s29;
	s7 =	sadd.s32 $0x51200, s9  }
0xc: {  	s10 =	simm.s32 $0xA800;
	v0 =	vmov s14;
	s14 =	simm.s32 $0x8000;
	s11 =	sadd.s32 s6, s5  }
0xd: {  	s5 =	sadd.s32 s30, s2;
	s6 =	sadd.s32 $0x59200, s9;
	s9 =	smax.u32 s31, $0x1  }
0xe: {  	v1 =	vimm.f32 $0.0e+00;
	s8 =	sadd.s32 $0x61200, s11;
	s11 =	simm.s32 $0x1;
	s16 =	sshrl.u32 s5, $0x3  }
.LBB2_1:
0xf: {  	[tilespmem:$0xA800] =	vst v1  }
0x10: {  	[tilespmem:$0xA810] =	vst v1  }
0x11: {  	[tilespmem:$0xA820] =	vst v1  }
0x12: {  	[tilespmem:$0xA830] =	vst v1  }
0x13: {  	[tilespmem:$0xA840] =	vst v1  }
0x14: {  	[tilespmem:$0xA850] =	vst v1  }
0x15: {  	[tilespmem:$0xA860] =	vst v1  }
0x16: {  	[tilespmem:$0xA870] =	vst v1  }
0x17: {  	[tilespmem:$0xA880] =	vst v1  }
0x18: {  	[tilespmem:$0xA890] =	vst v1  }
0x19: {  	[tilespmem:$0xA8A0] =	vst v1  }
0x1a: {  	[tilespmem:$0xA8B0] =	vst v1  }
0x1b: {  	[tilespmem:$0xA8C0] =	vst v1  }
0x1c: {  	[tilespmem:$0xA8D0] =	vst v1  }
0x1d: {  	[tilespmem:$0xA8E0] =	vst v1  }
0x1e: {  	[tilespmem:$0xA8F0] =	vst v1  }
0x1f: {  	[tilespmem:$0xA900] =	vst v1  }
0x20: {  	[tilespmem:$0xA910] =	vst v1  }
0x21: {  	[tilespmem:$0xA920] =	vst v1  }
0x22: {  	[tilespmem:$0xA930] =	vst v1  }
0x23: {  	[tilespmem:$0xA940] =	vst v1  }
0x24: {  	[tilespmem:$0xA950] =	vst v1  }
0x25: {  	[tilespmem:$0xA960] =	vst v1  }
0x26: {  	[tilespmem:$0xA970] =	vst v1  }
0x27: {  	[tilespmem:$0xA980] =	vst v1  }
0x28: {  	[tilespmem:$0xA990] =	vst v1  }
0x29: {  	[tilespmem:$0xA9A0] =	vst v1  }
0x2a: {  	[tilespmem:$0xA9B0] =	vst v1  }
0x2b: {  	[tilespmem:$0xA9C0] =	vst v1  }
0x2c: {  	[tilespmem:$0xA9D0] =	vst v1  }
0x2d: {  	[tilespmem:$0xA9E0] =	vst v1  }
0x2e: {  	[tilespmem:$0xA9F0] =	vst v1  }
0x2f: {  	[tilespmem:$0xAA00] =	vst v1  }
0x30: {  	[tilespmem:$0xAA10] =	vst v1  }
0x31: {  	[tilespmem:$0xAA20] =	vst v1  }
0x32: {  	[tilespmem:$0xAA30] =	vst v1  }
0x33: {  	[tilespmem:$0xAA40] =	vst v1  }
0x34: {  	[tilespmem:$0xAA50] =	vst v1  }
0x35: {  	[tilespmem:$0xAA60] =	vst v1  }
0x36: {  	[tilespmem:$0xAA70] =	vst v1  }
0x37: {  	[tilespmem:$0xAA80] =	vst v1  }
0x38: {  	[tilespmem:$0xAA90] =	vst v1  }
0x39: {  	[tilespmem:$0xAAA0] =	vst v1  }
0x3a: {  	[tilespmem:$0xAAB0] =	vst v1  }
0x3b: {  	[tilespmem:$0xAAC0] =	vst v1  }
0x3c: {  	[tilespmem:$0xAAD0] =	vst v1  }
0x3d: {  	[tilespmem:$0xAAE0] =	vst v1  }
0x3e: {  	[tilespmem:$0xAAF0] =	vst v1  }
0x3f: {  	[tilespmem:$0xAB00] =	vst v1  }
0x40: {  	[tilespmem:$0xAB10] =	vst v1  }
0x41: {  	[tilespmem:$0xAB20] =	vst v1  }
0x42: {  	[tilespmem:$0xAB30] =	vst v1  }
0x43: {  	[tilespmem:$0xAB40] =	vst v1  }
0x44: {  	[tilespmem:$0xAB50] =	vst v1  }
0x45: {  	[tilespmem:$0xAB60] =	vst v1  }
0x46: {  	[tilespmem:$0xAB70] =	vst v1  }
0x47: {  	[tilespmem:$0xAB80] =	vst v1  }
0x48: {  	[tilespmem:$0xAB90] =	vst v1  }
0x49: {  	[tilespmem:$0xABA0] =	vst v1  }
0x4a: {  	[tilespmem:$0xABB0] =	vst v1  }
0x4b: {  	[tilespmem:$0xABC0] =	vst v1  }
0x4c: {  	[tilespmem:$0xABD0] =	vst v1  }
0x4d: {  	[tilespmem:$0xABE0] =	vst v1  }
0x4e: {  	[tilespmem:$0xABF0] =	vst v1;
	s17 =	sadd.s32 $0x0, s5  }
0x4f: {  	[spmem:s17] =	stream.linear.scatter [tilespmem:s10], [sflag:$0x1], $0x400, $0x38;
	[tilespmem:$0x1E800] =	vst v63  }
0x50: {  	s17 =	simm.s32 $0x1000;
	_ =	swait.ge [sflag:s11], $0x400  }
.LBB2_2:
0x51: {  	s18 =	sshra.s32 s17, $0x2;
	[sflag:s11] =	ssyncset.done $0x0;
	p0 =	sne.s32 s17, $0x4E000  }
.Ltmp0:
0x52: {  	s18 =	sadd.s32 s18, s5;
	[sflag:s11] =	ssyncadd.s32 $0xFFFFFC00;
	(pc) =	sbr.rel @p0 .LBB2_2-.Ltmp0, $3  }
0x53: {  	[spmem:s18] =	stream.linear.scatter [tilespmem:s10], [sflag:$0x1], $0x400, $0x38;
	[tilespmem:$0x1E800] =	vst v63  }
0x54: {  	s17 =	sadd.s32 $0x1000, s17;
	_ =	sdelay $0x1  }
0x55: {  	_ =	swait.ge [sflag:s11], $0x400  }
0x56: {  	[sflag:s11] =	ssyncset.done $0x0  }
0x57: {  	s17 =	simm.s32 $0x0;
	[sflag:s11] =	ssyncadd.s32 $0xFFFFFC00  }
0x58: {  	[tilespmem:s17], [sflag:$0x1] =	stream.linear.gather [hbm4b:s6+s17], $0x3E80, $0x38;
	[tilespmem:$0x1E800] =	vst v63  }
0x59: {  	_ =	swait.ge [sflag:s11], $0x3E80  }
0x5a: {  	[sflag:s11] =	ssyncset.done $0x0  }
0x5b: {  	[sflag:s11] =	ssyncadd.s32 $0xFFFFC180  }
0x5c: {  	[tilespmem:s12], [sflag:$0x1] =	stream.linear.gather [hbm4b:s7+s17], $0x3E80, $0x38;
	[tilespmem:$0x1E800] =	vst v63  }
0x5d: {  	_ =	swait.ge [sflag:s11], $0x3E80  }
0x5e: {  	[sflag:s11] =	ssyncset.done $0x0  }
0x5f: {  	s17 =	simm.s32 $0x0;
	[sflag:s11] =	ssyncadd.s32 $0xFFFFC180  }
0x60: {  	v5 =	vld [tilespmem:s17+$0x0]  }
0x61: {  	v4 =	vld [tilespmem:s17+$0x10]  }
0x62: {  	v3 =	vld [tilespmem:s17+$0x20]  }
0x63: {  	s18 =	simm.s32 $0x200;
	v2 =	vld [tilespmem:s17+$0x30]  }
.LBB2_4:
0x64: {  	p0 =	sne.s32 s18, $0xF800;
	v6 =	vld [tilespmem:s17+$0x40]  }
0x65: {  	v5 =	vadd.s32 v0, v5  }
.Ltmp1:
0x66: {  	s19 =	sshra.s32 s18, $0x2;
	[tilespmem:s17+$0x0] =	vst v5;
	v4 =	vadd.s32 v0, v4;
	(pc) =	sbr.rel @p0 .LBB2_4-.Ltmp1, $4  }
0x67: {  	v5 =	vld [tilespmem:s19+$0x0];
	[tilespmem:s17+$0x10] =	vst v4;
	v3 =	vadd.s32 v0, v3  }
0x68: {  	v4 =	vld [tilespmem:s19+$0x10];
	[tilespmem:s17+$0x20] =	vst v3;
	v2 =	vadd.s32 v0, v2  }
0x69: {  	v3 =	vld [tilespmem:s19+$0x20];
	[tilespmem:s17+$0x30] =	vst v2;
	v6 =	vadd.s32 v0, v6  }
0x6a: {  	s18 =	sadd.s32 $0x200, s18;
	v2 =	vld [tilespmem:s19+$0x30];
	[tilespmem:s17+$0x40] =	vst v6;
	s17 =	smov.u32 s19  }
0x6b: {  	v6 =	vld [tilespmem:s17+$0x40]  }
0x6c: {  	v5 =	vadd.s32 v0, v5  }
0x6d: {  	[tilespmem:s17+$0x0] =	vst v5;
	v4 =	vadd.s32 v0, v4  }
0x6e: {  	[tilespmem:s17+$0x10] =	vst v4;
	v3 =	vadd.s32 v0, v3  }
0x6f: {  	[tilespmem:s17+$0x20] =	vst v3;
	v2 =	vadd.s32 v0, v2  }
0x70: {  	[tilespmem:s17+$0x30] =	vst v2;
	v2 =	vadd.s32 v0, v6  }
0x71: {  	[tilespmem:s17+$0x40] =	vst v2  }
0x72: {  	s30 =	simm.s32 $0x0;
	[bflag:$0x0] =	sbarrier.arrive $0xFFFF  }
0x73: {  	[tilespmem:s14], [sflag:$0x1] =	stream.indirect.gather [hbm4b:s1+s13], $0x80, s30, s13, $0xb8;
	[tilespmem:$0x1E800] =	vst v63  }
0x74: {  	_ =	swait.ge [sflag:s11], $0x2800  }
0x75: {  	[sflag:s11] =	ssyncset.done $0x0  }
0x76: {  	s31 =	simm.s32 $0x4000;
	[sflag:s11] =	ssyncadd.s32 $0xFFFFD800  }
0x77: {  	[spmem:s2] =	stream.indirect.scatter.add.f32 [tilespmem:s14], [sflag:$0x1], $0x80, s31, s13, $0xb8;
	[tilespmem:$0x1E800] =	vst v63  }
0x78: {  	_ =	swait.ge [sflag:s11], $0x2800  }
0x79: {  	s18 =	simm.s32 $0x400;
	s17 =	simm.s32 $0x200;
	[sflag:s11] =	ssyncset.done $0x0  }
.LBB2_6:
0x7a: {  	s19 =	sshra.s32 s17, $0x2  }
0x7b: {  	[sflag:s11] =	ssyncadd.s32 $0xFFFFD800;
	s17 =	smov.u32 s18;
	s20 =	sadd.s32 $0x200, s18  }
0x7c: {  	[tilespmem:s14], [sflag:$0x1] =	stream.indirect.gather [hbm4b:s1+s13], $0x80, s19, s13, $0xb8;
	[tilespmem:$0x1E800] =	vst v63  }
0x7d: {  	p0 =	sne.s32 s18, $0xF800;
	_ =	swait.ge [sflag:s11], $0x2800  }
.Ltmp2:
0x7e: {  	[sflag:s11] =	ssyncset.done $0x0;
	(pc) =	sbr.rel @p0 .LBB2_6-.Ltmp2, $4  }
0x7f: {  	s18 =	sadd.s32 $0x4000, s19;
	[sflag:s11] =	ssyncadd.s32 $0xFFFFD800  }
0x80: {  	[spmem:s2] =	stream.indirect.scatter.add.f32 [tilespmem:s14], [sflag:$0x1], $0x80, s18, s13, $0xb8;
	[tilespmem:$0x1E800] =	vst v63  }
0x81: {  	_ =	swait.ge [sflag:s11], $0x2800  }
0x82: {  	s18 =	smov.u32 s20;
	[sflag:s11] =	ssyncset.done $0x0  }
0x83: {  	s17 =	sshra.s32 s17, $0x2;
	[sflag:s11] =	ssyncadd.s32 $0xFFFFD800  }
0x84: {  	[tilespmem:s14], [sflag:$0x1] =	stream.indirect.gather [hbm4b:s1+s13], $0x80, s17, s13, $0xb8;
	[tilespmem:$0x1E800] =	vst v63  }
0x85: {  	_ =	swait.ge [sflag:s11], $0x2800  }
0x86: {  	[sflag:s11] =	ssyncset.done $0x0  }
0x87: {  	s17 =	sadd.s32 $0x4000, s17;
	[sflag:s11] =	ssyncadd.s32 $0xFFFFD800  }
0x88: {  	[spmem:s2] =	stream.indirect.scatter.add.f32 [tilespmem:s14], [sflag:$0x1], $0x80, s17, s13, $0xb8;
	[tilespmem:$0x1E800] =	vst v63  }
0x89: {  	_ =	swait.ge [sflag:s11], $0x2800  }
0x8a: {  	s4 =	sadd.s32 $0x1, s4;
	[sflag:s11] =	ssyncset.done $0x0  }
0x8b: {  	p0 =	sne.s32 s4, s9;
	[sflag:s11] =	ssyncadd.s32 $0xFFFFD800  }
.Ltmp3:
0x8c: {  	[bflag:$0x0] =	sbarrier.arrive $0xFFFF;
	(pc) =	sbr.rel @p0 .LBB2_1-.Ltmp3, $4  }
0x8d: {  	[hbm:s8], [sflag:s15] =	dma.local [spmem:s16], $0x2780  }
0x8e: {  	_ =	swait.ge [sflag:s11], $0x2780  }
0x8f: {  	[sflag:s11] =	ssyncset.done $0x0  }
0x90: {  	[sflag:s11] =	ssyncadd.s32 $0xFFFFD880  }
0x91: {  	_ =	sfence.sel $0x180000  }
0x92: {  	[bflag:$0x0] =	sbarrier.arrive $0xFFFF  }
0x93: {  	p0 =	sne.s32 s3, $0x0;
	_ =	strace $0x9000004A  }
0x94: {  	s0 =	sadd.s32 @!p0 $0x100000, s0;
	[bflag:$0x2] =	sbarrier.arrive $0xFFFF  }
0x95: {  	[sflag:s0] =	ssyncadd.tile.s32 @!p0 $0x1;
	_ =	shalt  }
.Lfunc_end2:
_tile_overlayer_lowered:
.L_overlay_start_2:
0x96: {  	(tag) =	ssettag $0x2  }
0x97: {  	s0 =	rddreg [dreg:$0x0];
	s2 =	stileid.u32  }
0x98: {  	s1 =	rddreg [dreg:$0x1];
	p0 =	sne.s32 s2, $0x0  }
0x99: {  	s3 =	rddreg [dreg:$0x2];
	[bflag:$0x3] =	sbarrier.arrive $0xFFFF;
	s2 =	simm.s32 @!p0 $0x1C01  }
0x9a: {  	[timem:s3], [sflag:s2] =	dma.local @!p0 [hbm:s0], s1  }
0x9b: {  	s0 =	simm.s32 @!p0 $0x1  }
0x9c: {  	_ =	swait.ge @!p0 [sflag:s0], s1  }
0x9d: {  	s1 =	ssub.s32 @!p0 $0x0, s1;
	[sflag:s0] =	ssyncset.done @!p0 $0x0  }
0x9e: {  	[sflag:s0] =	ssyncadd.s32 @!p0 s1  }
0x9f: {  	[bflag:$0x3] =	sbarrier.arrive $0xFFFF  }
0xa0: {  	_ =	shalt  }

// kernel: kernel.14.cloned.1.call-start
scs
__scs_entry_jumppad:
0x0: {  	(pc) =	sbr.rel $0x88, $3  }
0x1: {  	(tag) =	ssettag $0x0;
	lr =	simm.s32 $0x1  }
0x2: {  	[smem:$0x3F9B] =	sst lr;
	_ =	strace $0xD0000000  }
0x3: {  	_ = 	snop  }
0x4: {  	_ = 	snop  }
0x5: {  	_ = 	snop  }
0x6: {  	_ = 	snop  }
0x7: {  	_ = 	snop  }
__scs_overlays_trampoline_lowered:
0x8: {  	[smem:$0x3FAA] =	sst s0  }
0x9: {  	[smem:$0x3FAB] =	sst s1  }
0xa: {  	[smem:$0x3FAC] =	sst s2  }
0xb: {  	[smem:$0x3FAD] =	sst s3  }
0xc: {  	[smem:$0x3FAE] =	sst s4  }
0xd: {  	[smem:$0x3FAF] =	sst s5  }
0xe: {  	[smem:$0x3FB0] =	sst s6  }
0xf: {  	[smem:$0x3FB1] =	sst s7  }
0x10: {  	[smem:$0x3FB2] =	sst s8  }
0x11: {  	[smem:$0x3FB3] =	sst s9;
	s0 =	simm.s32 @!p0 $0x0  }
0x12: {  	s1 =	sld [smem:$0x3F99];
	s0 =	simm.s32 @p0 $0x1  }
0x13: {  	[smem:$0x3FB4] =	sst s0;
	s0 =	simm.s32 @!p1 $0x0  }
0x14: {  	s2 =	sld [smem:$0x3F98];
	s0 =	simm.s32 @p1 $0x1  }
0x15: {  	[smem:$0x3FB5] =	sst s0;
	s0 =	simm.s32 @!p2 $0x0  }
0x16: {  	s3 =	sld [smem:$0x3FDB];
	s0 =	simm.s32 @p2 $0x1  }
0x17: {  	s4 =	simm.s32 $0x1BF5;
	[smem:$0x3FB7] =	sst s0  }
0x18: {  	s0 =	sld [smem:$0x3F9A];
	_ =	swait.ge [sflag:s4], $0x0  }
0x19: {  	s7 =	sld [smem:$0x3F9B]  }
0x1a: {  	s8 =	sadd.s32 $0xFFFFE003, lr  }
0x1b: {  	s9 =	sadd.s32 $0xFFFFFEF7, lr;
	s5 =	simm.s32 $0xFFFFFFFF;
	p2 =	slt.u32 s8, $0xFFFFF086  }
0x1c: {  	p1 =	slt.u32 s9, $0xF7A;
	s5 =	simm.s32 @!p2 $0x0  }
0x1d: {  	s5 =	simm.s32 @p1 $0x1;
	p0 =	seq.s32 s7, s2  }
0x1e: {  	s7 =	smul.u32 @!p0 $0xF7A, s2;
	p2 =	seq.s32 @!p0 s5, $0x0  }
0x1f: {  	s9 =	smul.u32 $0xF7A, s1;
	s8 =	simm.s32 @!p0 $0x1BF5;
	p2 =	por !p2, p0  }
0x20: {  	[sflag:s8] =	ssyncset.s32 @!p0 $0xFFFFF086;
	s6 =	sadd.s32 @!p0 s3, s7;
	s7 =	simm.s32 @!p0 $0x108  }
0x21: {  	s3 =	sadd.s32 s3, s9;
	s6 =	sadd.s32 @!p0 $0x88, s6;
	s7 =	simm.s32 @p2 $0x1082  }
0x22: {  	[simem:s7], [sflag:s8] =	dma.local @!p0 [hbm:s6], $0xF7A  }
0x23: {  	s9 =	sor.u32 $0xD0000000, s2;
	s6 =	simm.s32 $0x108;
	_ =	swait.ge @!p0 [sflag:s8], $0x0  }
0x24: {  	s3 =	sadd.s32 $0x88, s3;
	s6 =	simm.s32 @!p1 $0x1082;
	[sflag:s4] =	ssyncset.s32 $0xFFFFF086  }
0x25: {  	[simem:s6], [sflag:s4] =	dma.local [hbm:s3], $0xF7A  }
0x26: {  	[smem:$0x3F9B] =	sst s1;
	(tag) =	ssettag s2;
	_ =	strace s9  }
0x27: {  	s1 =	sld [smem:$0x3FAB]  }
0x28: {  	s2 =	sld [smem:$0x3FAC]  }
0x29: {  	s4 =	sld [smem:$0x3FAE]  }
0x2a: {  	p0 =	seq.s32 s5, $0x0;
	s5 =	sld [smem:$0x3FAF]  }
0x2b: {  	s6 =	sld [smem:$0x3FB0]  }
0x2c: {  	s7 =	sld [smem:$0x3FB1]  }
0x2d: {  	s3 =	simm.s32 $0x108;
	s8 =	sld [smem:$0x3FB2]  }
0x2e: {  	s3 =	simm.s32 @!p0 $0x1082;
	s9 =	sld [smem:$0x3FB3]  }
0x2f: {  	lr =	sadd.s32 s0, s3;
	s0 =	sld [smem:$0x3FAA]  }
0x30: {  	s3 =	sld [smem:$0x3FAD]  }
0x31: {  	[smem:$0x3FB6] =	sst s10  }
0x32: {  	s10 =	sld [smem:$0x3FB4];
	_ =	sdelay $0x3  }
0x33: {  	p0 =	seq.s32 s10, $0x1;
	s10 =	sld [smem:$0x3FB6];
	_ =	sdelay $0x3  }
0x34: {  	[smem:$0x3FB6] =	sst s10  }
0x35: {  	s10 =	sld [smem:$0x3FB5];
	_ =	sdelay $0x3  }
0x36: {  	p1 =	seq.s32 s10, $0x1;
	s10 =	sld [smem:$0x3FB6];
	_ =	sdelay $0x3  }
0x37: {  	[smem:$0x3FB6] =	sst s10  }
0x38: {  	s10 =	sld [smem:$0x3FB7]  }
0x39: {  	_ = 	snop;
	(pc) =	sbr.ind lr, $3  }
0x3a: {  	_ = 	snop  }
0x3b: {  	_ = 	snop  }
0x3c: {  	p2 =	seq.s32 s10, $0x1;
	s10 =	sld [smem:$0x3FB6]  }
0x3d: {  	_ =	shalt  }
0x3e: {  	_ =	shalt  }
0x3f: {  	_ =	shalt  }
0x40: {  	_ =	shalt  }
0x41: {  	_ =	shalt  }
0x42: {  	_ =	shalt  }
0x43: {  	_ =	shalt  }
0x44: {  	_ =	shalt  }
0x45: {  	_ =	shalt  }
0x46: {  	_ =	shalt  }
0x47: {  	_ =	shalt  }
0x48: {  	_ =	shalt  }
0x49: {  	_ =	shalt  }
0x4a: {  	_ =	shalt  }
0x4b: {  	_ =	shalt  }
0x4c: {  	_ =	shalt  }
0x4d: {  	_ =	shalt  }
0x4e: {  	_ =	shalt  }
0x4f: {  	_ =	shalt  }
0x50: {  	_ =	shalt  }
0x51: {  	_ =	shalt  }
0x52: {  	_ =	shalt  }
0x53: {  	_ =	shalt  }
0x54: {  	_ =	shalt  }
0x55: {  	_ =	shalt  }
0x56: {  	_ =	shalt  }
0x57: {  	_ =	shalt  }
0x58: {  	_ =	shalt  }
0x59: {  	_ =	shalt  }
0x5a: {  	_ =	shalt  }
0x5b: {  	_ =	shalt  }
0x5c: {  	_ =	shalt  }
0x5d: {  	_ =	shalt  }
0x5e: {  	_ =	shalt  }
0x5f: {  	_ =	shalt  }
0x60: {  	_ =	shalt  }
0x61: {  	_ =	shalt  }
0x62: {  	_ =	shalt  }
0x63: {  	_ =	shalt  }
0x64: {  	_ =	shalt  }
0x65: {  	_ =	shalt  }
0x66: {  	_ =	shalt  }
0x67: {  	_ =	shalt  }
0x68: {  	_ =	shalt  }
0x69: {  	_ =	shalt  }
0x6a: {  	_ =	shalt  }
0x6b: {  	_ =	shalt  }
0x6c: {  	_ =	shalt  }
0x6d: {  	_ =	shalt  }
0x6e: {  	_ =	shalt  }
0x6f: {  	_ =	shalt  }
0x70: {  	_ =	shalt  }
0x71: {  	_ =	shalt  }
0x72: {  	_ =	shalt  }
0x73: {  	_ =	shalt  }
0x74: {  	_ =	shalt  }
0x75: {  	_ =	shalt  }
0x76: {  	_ =	shalt  }
0x77: {  	_ =	shalt  }
0x78: {  	_ =	shalt  }
0x79: {  	_ =	shalt  }
0x7a: {  	_ =	shalt  }
0x7b: {  	_ =	shalt  }
0x7c: {  	_ =	shalt  }
0x7d: {  	_ =	shalt  }
0x7e: {  	_ =	shalt  }
0x7f: {  	_ =	shalt  }
0x80: {  	_ =	shalt  }
0x81: {  	_ =	shalt  }
0x82: {  	_ =	shalt  }
0x83: {  	_ =	shalt  }
0x84: {  	_ =	shalt  }
0x85: {  	_ =	shalt  }
0x86: {  	_ =	shalt  }
0x87: {  	_ =	shalt  }
.Lfunc_end0:
.L_simem_size_0:
called_computation.2_lowered:
.L_overlay_start_0:
0x88: {  	s2 =	sld [smem:$0x3FD9]  }
0x89: {  	s3 =	sld [smem:$0x3FFE];
	_ =	sdelay $0x1  }
0x8a: {  	s1 =	srdreg.scid  }
0x8b: {  	s0 =	sand.u32 $0x1, s1  }
0x8c: {  	s17 =	sshll.u32 s0, $0xA;
	s2 =	sadd.s32 s3, s2  }
0x8d: {  	s2 =	sadd.s32 s2, s17  }
0x8e: {  	[smem:$0x3FC2] =	sst s2  }
0x8f: {  	_ = 	snop  }
0x90: {  	s2 =	sld [smem:$0x3FD0];
	(tm) =	ssettm $0x1  }
0x91: {  	s18 =	sld [smem:$0x3FFB];
	_ =	sdelay $0x3  }
0x92: {  	_ =	strace s18  }
0x93: {  	s3 =	sld [smem:$0x3FFC];
	_ =	sdelay $0x3  }
0x94: {  	_ =	strace s3  }
0x95: {  	s3 =	sld [smem:$0x3FFD];
	_ =	sdelay $0x3  }
0x96: {  	_ =	strace s3  }
0x97: {  	_ =	strace $0x8FFFFFFF  }
0x98: {  	s19 =	sld [smem:$0x3FDB];
	_ =	sdelay $0x1  }
0x99: {  	s4 =	simm.s32 $_scs_section_size  }
0x9a: {  	s5 =	simm.s32 $_size__tile_overlayer_lowered;
	s6 =	simm.s32 $_tile_overlayer_lowered  }
0x9b: {  	s22 =	simm.s32 $0x1BFF;
	s21 =	sshll.u32 s6, $0x1;
	s3 =	sadd.s32 s4, s19  }
0x9c: {  	s7 =	simm.s32 $0x0;
	s20 =	sshll.u32 s5, $0x1;
	s5 =	sadd.s32 s21, s3  }
0x9d: {  	[timem:s7], [sflag:s22] =	dma.local [hbm:s5], s20  }
0x9e: {  	_ =	swait.ge [sflag:s22], s20  }
0x9f: {  	s4 =	ssub.s32 $0x0, s20;
	[sflag:s22] =	ssyncset.done $0x0  }
0xa0: {  	[sflag:s22] =	ssyncadd.s32 s4;
	_ =	sdelay $0x1  }
0xa1: {  	s23 =	simm.s32 $0x1B8B  }
0xa2: {  	_ =	swait.ge [sflag:s23], $0x1  }
0xa3: {  	[sflag:s23] =	ssyncset.done $0x0  }
0xa4: {  	s25 =	simm.s32 $0x1B8E;
	s24 =	sld [smem:$0x3FFE];
	[sflag:s23] =	ssyncadd.s32 $0xFFFFFFFF  }
0xa5: {  	s26 =	simm.s32 $execute0_lowered;
	[smem:$0x3FD2] =	sst s25  }
0xa6: {  	s5 =	sshll.u32 s26, $0x1;
	_ =	strace $0x8000004C;
	[dreg:$0x1] =	wrdreg $0xFFFFFFFF  }
0xa7: {  	s28 =	simm.s32 $_size_execute0_lowered;
	s3 =	sadd.s32 s3, s5;
	[dreg:$0x0] =	wrdreg $0x0  }
0xa8: {  	s5 =	sshll.u32 s28, $0x1;
	[dreg:$0x2] =	wrdreg s3  }
0xa9: {  	[dreg:$0x3] =	wrdreg s5  }
0xaa: {  	[dreg:$0x4] =	wrdreg $0xC0  }
0xab: {  	_ =	task [dreg:s7], $0x5FFFF  }
0xac: {  	[dreg:$0x1] =	wrdreg $0xFFFFFFFF  }
0xad: {  	[dreg:$0x0] =	wrdreg $0x60  }
0xae: {  	[dreg:$0x2] =	wrdreg s2  }
0xaf: {  	[dreg:$0x3] =	wrdreg s24  }
0xb0: {  	[dreg:$0x4] =	wrdreg $0xAC000  }
0xb1: {  	[dreg:$0x5] =	wrdreg $0x9  }
0xb2: {  	_ =	task.clear_ibuf [dreg:s7], $0x6FFFF;
	_ =	strace $0x9000004C  }
0xb3: {  	s29 =	simm.s32 $0x9;
	_ =	strace $0x8000004E  }
0xb4: {  	_ =	swait.ge [sflag:s29], $0x1  }
0xb5: {  	[sflag:s29] =	ssyncadd.s32 $0xFFFFFFFF  }
0xb6: {  	_ =	strace $0x9000004E  }
0xb7: {  	_ =	sfence  }
0xb8: {  	s30 =	sld [smem:$0x0];
	_ =	sdelay $0x2  }
0xb9: {  	s31 =	sshll.u32 s1, $0xD;
	s1 =	sshrl.u32 s1, $0x2  }
0xba: {  	s3 =	sand.u32 $0x4000, s31;
	s1 =	sadd.s32 s1, s30  }
0xbb: {  	s0 =	sor.u32 s3, s0;
	s1 =	sshll.u32 s1, $0x11  }
0xbc: {  	s0 =	sor.u32 s1, s0  }
0xbd: {  	s0 =	sadd.s32 $0x8F2B, s0  }
0xbe: {  	[sflag:s0] =	ssyncadd.remote.s32 $0x1  }
0xbf: {  	_ =	sfence.sel $0xFFFF  }
0xc0: {  	[dreg:$0x0] =	wrdreg $0xFFFFFFFF;
	(pc) =	sbr.abs _section_cstart, $3  }
0xc1: {  	[dreg:$0x1] =	wrdreg $0xFFFFFFFF  }
0xc2: {  	_ =	task.clear_ibuf [dreg:s7], $0x2FFFF;
	_ =	strace $0x9FFFFFFF  }
0xc3: {  	(tm) =	ssettm $0x7FFFFFFF  }
tec
execute0_lowered:
.L_overlay_start_1:
0x0: {  	(tag) =	ssettag $0x1  }
0x1: {  	s1 =	rddreg [dreg:$0x0]  }
0x2: {  	s5 =	rddreg [dreg:$0x1]  }
0x3: {  	s2 =	rddreg [dreg:$0x2]  }
0x4: {  	s3 =	srdreg.scid;
	s0 =	rddreg [dreg:$0x3]  }
0x5: {  	s4 =	simm.s32 $0x0;
	s8 =	sand.u32 $0x1, s3;
	s3 =	stileid.u32  }
0x6: {  	s12 =	simm.s32 $0x4000;
	[smem:$0x7FF] =	sst s4;
	s6 =	smul.u32 $0x27800, s8  }
0x7: {  	s13 =	simm.s32 $0x50;
	s7 =	smul.u32 $0x2780, s3;
	_ =	strace $0x8000004D  }
0x8: {  	s9 =	sshll.u32 s3, $0xB;
	s10 =	smul.u32 $0x4F000, s3;
	s28 =	ssub.s32 $0x2, s8  }
0x9: {  	s14 =	smul.u32 $0x2710, s8;
	s15 =	sshll.u32 s3, $0x6;
	s9 =	sadd.s32 s9, s5  }
0xa: {  	s29 =	sshrl.u32 s28, $0x1;
	s15 =	sor.u32 $0x1C01, s15;
	s6 =	sadd.s32 s7, s6  }
0xb: {  	s30 =	sshrl.u32 s10, $0x2;
	s31 =	ssub.s32 s28, s29;
	s7 =	sadd.s32 $0x51200, s9  }
0xc: {  	s10 =	simm.s32 $0xA800;
	v0 =	vmov s14;
	s14 =	simm.s32 $0x8000;
	s11 =	sadd.s32 s6, s5  }
0xd: {  	s5 =	sadd.s32 s30, s2;
	s6 =	sadd.s32 $0x59200, s9;
	s9 =	smax.u32 s31, $0x1  }
0xe: {  	v1 =	vimm.f32 $0.0e+00;
	s8 =	sadd.s32 $0x61200, s11;
	s11 =	simm.s32 $0x1;
	s16 =	sshrl.u32 s5, $0x3  }
.LBB2_1:
0xf: {  	[tilespmem:$0xA800] =	vst v1  }
0x10: {  	[tilespmem:$0xA810] =	vst v1  }
0x11: {  	[tilespmem:$0xA820] =	vst v1  }
0x12: {  	[tilespmem:$0xA830] =	vst v1  }
0x13: {  	[tilespmem:$0xA840] =	vst v1  }
0x14: {  	[tilespmem:$0xA850] =	vst v1  }
0x15: {  	[tilespmem:$0xA860] =	vst v1  }
0x16: {  	[tilespmem:$0xA870] =	vst v1  }
0x17: {  	[tilespmem:$0xA880] =	vst v1  }
0x18: {  	[tilespmem:$0xA890] =	vst v1  }
0x19: {  	[tilespmem:$0xA8A0] =	vst v1  }
0x1a: {  	[tilespmem:$0xA8B0] =	vst v1  }
0x1b: {  	[tilespmem:$0xA8C0] =	vst v1  }
0x1c: {  	[tilespmem:$0xA8D0] =	vst v1  }
0x1d: {  	[tilespmem:$0xA8E0] =	vst v1  }
0x1e: {  	[tilespmem:$0xA8F0] =	vst v1  }
0x1f: {  	[tilespmem:$0xA900] =	vst v1  }
0x20: {  	[tilespmem:$0xA910] =	vst v1  }
0x21: {  	[tilespmem:$0xA920] =	vst v1  }
0x22: {  	[tilespmem:$0xA930] =	vst v1  }
0x23: {  	[tilespmem:$0xA940] =	vst v1  }
0x24: {  	[tilespmem:$0xA950] =	vst v1  }
0x25: {  	[tilespmem:$0xA960] =	vst v1  }
0x26: {  	[tilespmem:$0xA970] =	vst v1  }
0x27: {  	[tilespmem:$0xA980] =	vst v1  }
0x28: {  	[tilespmem:$0xA990] =	vst v1  }
0x29: {  	[tilespmem:$0xA9A0] =	vst v1  }
0x2a: {  	[tilespmem:$0xA9B0] =	vst v1  }
0x2b: {  	[tilespmem:$0xA9C0] =	vst v1  }
0x2c: {  	[tilespmem:$0xA9D0] =	vst v1  }
0x2d: {  	[tilespmem:$0xA9E0] =	vst v1  }
0x2e: {  	[tilespmem:$0xA9F0] =	vst v1  }
0x2f: {  	[tilespmem:$0xAA00] =	vst v1  }
0x30: {  	[tilespmem:$0xAA10] =	vst v1  }
0x31: {  	[tilespmem:$0xAA20] =	vst v1  }
0x32: {  	[tilespmem:$0xAA30] =	vst v1  }
0x33: {  	[tilespmem:$0xAA40] =	vst v1  }
0x34: {  	[tilespmem:$0xAA50] =	vst v1  }
0x35: {  	[tilespmem:$0xAA60] =	vst v1  }
0x36: {  	[tilespmem:$0xAA70] =	vst v1  }
0x37: {  	[tilespmem:$0xAA80] =	vst v1  }
0x38: {  	[tilespmem:$0xAA90] =	vst v1  }
0x39: {  	[tilespmem:$0xAAA0] =	vst v1  }
0x3a: {  	[tilespmem:$0xAAB0] =	vst v1  }
0x3b: {  	[tilespmem:$0xAAC0] =	vst v1  }
0x3c: {  	[tilespmem:$0xAAD0] =	vst v1  }
0x3d: {  	[tilespmem:$0xAAE0] =	vst v1  }
0x3e: {  	[tilespmem:$0xAAF0] =	vst v1  }
0x3f: {  	[tilespmem:$0xAB00] =	vst v1  }
0x40: {  	[tilespmem:$0xAB10] =	vst v1  }
0x41: {  	[tilespmem:$0xAB20] =	vst v1  }
0x42: {  	[tilespmem:$0xAB30] =	vst v1  }
0x43: {  	[tilespmem:$0xAB40] =	vst v1  }
0x44: {  	[tilespmem:$0xAB50] =	vst v1  }
0x45: {  	[tilespmem:$0xAB60] =	vst v1  }
0x46: {  	[tilespmem:$0xAB70] =	vst v1  }
0x47: {  	[tilespmem:$0xAB80] =	vst v1  }
0x48: {  	[tilespmem:$0xAB90] =	vst v1  }
0x49: {  	[tilespmem:$0xABA0] =	vst v1  }
0x4a: {  	[tilespmem:$0xABB0] =	vst v1  }
0x4b: {  	[tilespmem:$0xABC0] =	vst v1  }
0x4c: {  	[tilespmem:$0xABD0] =	vst v1  }
0x4d: {  	[tilespmem:$0xABE0] =	vst v1  }
0x4e: {  	[tilespmem:$0xABF0] =	vst v1;
	s17 =	sadd.s32 $0x0, s5  }
0x4f: {  	[spmem:s17] =	stream.linear.scatter [tilespmem:s10], [sflag:$0x1], $0x400, $0x38;
	[tilespmem:$0x1E800] =	vst v63  }
0x50: {  	s17 =	simm.s32 $0x1000;
	_ =	swait.ge [sflag:s11], $0x400  }
.LBB2_2:
0x51: {  	s18 =	sshra.s32 s17, $0x2;
	[sflag:s11] =	ssyncset.done $0x0;
	p0 =	sne.s32 s17, $0x4E000  }
.Ltmp0:
0x52: {  	s18 =	sadd.s32 s18, s5;
	[sflag:s11] =	ssyncadd.s32 $0xFFFFFC00;
	(pc) =	sbr.rel @p0 .LBB2_2-.Ltmp0, $3  }
0x53: {  	[spmem:s18] =	stream.linear.scatter [tilespmem:s10], [sflag:$0x1], $0x400, $0x38;
	[tilespmem:$0x1E800] =	vst v63  }
0x54: {  	s17 =	sadd.s32 $0x1000, s17;
	_ =	sdelay $0x1  }
0x55: {  	_ =	swait.ge [sflag:s11], $0x400  }
0x56: {  	[sflag:s11] =	ssyncset.done $0x0  }
0x57: {  	s17 =	simm.s32 $0x0;
	[sflag:s11] =	ssyncadd.s32 $0xFFFFFC00  }
0x58: {  	[tilespmem:s17], [sflag:$0x1] =	stream.linear.gather [hbm4b:s6+s17], $0x3E80, $0x38;
	[tilespmem:$0x1E800] =	vst v63  }
0x59: {  	_ =	swait.ge [sflag:s11], $0x3E80  }
0x5a: {  	[sflag:s11] =	ssyncset.done $0x0  }
0x5b: {  	[sflag:s11] =	ssyncadd.s32 $0xFFFFC180  }
0x5c: {  	[tilespmem:s12], [sflag:$0x1] =	stream.linear.gather [hbm4b:s7+s17], $0x3E80, $0x38;
	[tilespmem:$0x1E800] =	vst v63  }
0x5d: {  	_ =	swait.ge [sflag:s11], $0x3E80  }
0x5e: {  	[sflag:s11] =	ssyncset.done $0x0  }
0x5f: {  	s17 =	simm.s32 $0x0;
	[sflag:s11] =	ssyncadd.s32 $0xFFFFC180  }
0x60: {  	v5 =	vld [tilespmem:s17+$0x0]  }
0x61: {  	v4 =	vld [tilespmem:s17+$0x10]  }
0x62: {  	v3 =	vld [tilespmem:s17+$0x20]  }
0x63: {  	s18 =	simm.s32 $0x200;
	v2 =	vld [tilespmem:s17+$0x30]  }
.LBB2_4:
0x64: {  	p0 =	sne.s32 s18, $0xF800;
	v6 =	vld [tilespmem:s17+$0x40]  }
0x65: {  	v5 =	vadd.s32 v0, v5  }
.Ltmp1:
0x66: {  	s19 =	sshra.s32 s18, $0x2;
	[tilespmem:s17+$0x0] =	vst v5;
	v4 =	vadd.s32 v0, v4;
	(pc) =	sbr.rel @p0 .LBB2_4-.Ltmp1, $4  }
0x67: {  	v5 =	vld [tilespmem:s19+$0x0];
	[tilespmem:s17+$0x10] =	vst v4;
	v3 =	vadd.s32 v0, v3  }
0x68: {  	v4 =	vld [tilespmem:s19+$0x10];
	[tilespmem:s17+$0x20] =	vst v3;
	v2 =	vadd.s32 v0, v2  }
0x69: {  	v3 =	vld [tilespmem:s19+$0x20];
	[tilespmem:s17+$0x30] =	vst v2;
	v6 =	vadd.s32 v0, v6  }
0x6a: {  	s18 =	sadd.s32 $0x200, s18;
	v2 =	vld [tilespmem:s19+$0x30];
	[tilespmem:s17+$0x40] =	vst v6;
	s17 =	smov.u32 s19  }
0x6b: {  	v6 =	vld [tilespmem:s17+$0x40]  }
0x6c: {  	v5 =	vadd.s32 v0, v5  }
0x6d: {  	[tilespmem:s17+$0x0] =	vst v5;
	v4 =	vadd.s32 v0, v4  }
0x6e: {  	[tilespmem:s17+$0x10] =	vst v4;
	v3 =	vadd.s32 v0, v3  }
0x6f: {  	[tilespmem:s17+$0x20] =	vst v3;
	v2 =	vadd.s32 v0, v2  }
0x70: {  	[tilespmem:s17+$0x30] =	vst v2;
	v2 =	vadd.s32 v0, v6  }
0x71: {  	[tilespmem:s17+$0x40] =	vst v2  }
0x72: {  	s30 =	simm.s32 $0x0;
	[bflag:$0x0] =	sbarrier.arrive $0xFFFF  }
0x73: {  	[tilespmem:s14], [sflag:$0x1] =	stream.indirect.gather [hbm4b:s1+s13], $0x80, s30, s13, $0xb8;
	[tilespmem:$0x1E800] =	vst v63  }
0x74: {  	_ =	swait.ge [sflag:s11], $0x2800  }
0x75: {  	[sflag:s11] =	ssyncset.done $0x0  }
0x76: {  	s31 =	simm.s32 $0x4000;
	[sflag:s11] =	ssyncadd.s32 $0xFFFFD800  }
0x77: {  	[spmem:s2] =	stream.indirect.scatter.add.f32 [tilespmem:s14], [sflag:$0x1], $0x80, s31, s13, $0xb8;
	[tilespmem:$0x1E800] =	vst v63  }
0x78: {  	_ =	swait.ge [sflag:s11], $0x2800  }
0x79: {  	s18 =	simm.s32 $0x400;
	s17 =	simm.s32 $0x200;
	[sflag:s11] =	ssyncset.done $0x0  }
.LBB2_6:
0x7a: {  	s19 =	sshra.s32 s17, $0x2  }
0x7b: {  	[sflag:s11] =	ssyncadd.s32 $0xFFFFD800;
	s17 =	smov.u32 s18;
	s20 =	sadd.s32 $0x200, s18  }
0x7c: {  	[tilespmem:s14], [sflag:$0x1] =	stream.indirect.gather [hbm4b:s1+s13], $0x80, s19, s13, $0xb8;
	[tilespmem:$0x1E800] =	vst v63  }
0x7d: {  	p0 =	sne.s32 s18, $0xF800;
	_ =	swait.ge [sflag:s11], $0x2800  }
.Ltmp2:
0x7e: {  	[sflag:s11] =	ssyncset.done $0x0;
	(pc) =	sbr.rel @p0 .LBB2_6-.Ltmp2, $4  }
0x7f: {  	s18 =	sadd.s32 $0x4000, s19;
	[sflag:s11] =	ssyncadd.s32 $0xFFFFD800  }
0x80: {  	[spmem:s2] =	stream.indirect.scatter.add.f32 [tilespmem:s14], [sflag:$0x1], $0x80, s18, s13, $0xb8;
	[tilespmem:$0x1E800] =	vst v63  }
0x81: {  	_ =	swait.ge [sflag:s11], $0x2800  }
0x82: {  	s18 =	smov.u32 s20;
	[sflag:s11] =	ssyncset.done $0x0  }
0x83: {  	s17 =	sshra.s32 s17, $0x2;
	[sflag:s11] =	ssyncadd.s32 $0xFFFFD800  }
0x84: {  	[tilespmem:s14], [sflag:$0x1] =	stream.indirect.gather [hbm4b:s1+s13], $0x80, s17, s13, $0xb8;
	[tilespmem:$0x1E800] =	vst v63  }
0x85: {  	_ =	swait.ge [sflag:s11], $0x2800  }
0x86: {  	[sflag:s11] =	ssyncset.done $0x0  }
0x87: {  	s17 =	sadd.s32 $0x4000, s17;
	[sflag:s11] =	ssyncadd.s32 $0xFFFFD800  }
0x88: {  	[spmem:s2] =	stream.indirect.scatter.add.f32 [tilespmem:s14], [sflag:$0x1], $0x80, s17, s13, $0xb8;
	[tilespmem:$0x1E800] =	vst v63  }
0x89: {  	_ =	swait.ge [sflag:s11], $0x2800  }
0x8a: {  	s4 =	sadd.s32 $0x1, s4;
	[sflag:s11] =	ssyncset.done $0x0  }
0x8b: {  	p0 =	sne.s32 s4, s9;
	[sflag:s11] =	ssyncadd.s32 $0xFFFFD800  }
.Ltmp3:
0x8c: {  	[bflag:$0x0] =	sbarrier.arrive $0xFFFF;
	(pc) =	sbr.rel @p0 .LBB2_1-.Ltmp3, $4  }
0x8d: {  	[hbm:s8], [sflag:s15] =	dma.local [spmem:s16], $0x2780  }
0x8e: {  	_ =	swait.ge [sflag:s11], $0x2780  }
0x8f: {  	[sflag:s11] =	ssyncset.done $0x0  }
0x90: {  	[sflag:s11] =	ssyncadd.s32 $0xFFFFD880  }
0x91: {  	_ =	sfence.sel $0x180000  }
0x92: {  	[bflag:$0x0] =	sbarrier.arrive $0xFFFF  }
0x93: {  	p0 =	sne.s32 s3, $0x0;
	_ =	strace $0x9000004D  }
0x94: {  	s0 =	sadd.s32 @!p0 $0x100000, s0;
	[bflag:$0x2] =	sbarrier.arrive $0xFFFF  }
0x95: {  	[sflag:s0] =	ssyncadd.tile.s32 @!p0 $0x1;
	_ =	shalt  }
.Lfunc_end2:
_tile_overlayer_lowered:
.L_overlay_start_2:
0x96: {  	(tag) =	ssettag $0x2  }
0x97: {  	s0 =	rddreg [dreg:$0x0];
	s2 =	stileid.u32  }
0x98: {  	s1 =	rddreg [dreg:$0x1];
	p0 =	sne.s32 s2, $0x0  }
0x99: {  	s3 =	rddreg [dreg:$0x2];
	[bflag:$0x3] =	sbarrier.arrive $0xFFFF;
	s2 =	simm.s32 @!p0 $0x1C01  }
0x9a: {  	[timem:s3], [sflag:s2] =	dma.local @!p0 [hbm:s0], s1  }
0x9b: {  	s0 =	simm.s32 @!p0 $0x1  }
0x9c: {  	_ =	swait.ge @!p0 [sflag:s0], s1  }
0x9d: {  	s1 =	ssub.s32 @!p0 $0x0, s1;
	[sflag:s0] =	ssyncset.done @!p0 $0x0  }
0x9e: {  	[sflag:s0] =	ssyncadd.s32 @!p0 s1  }
0x9f: {  	[bflag:$0x3] =	sbarrier.arrive $0xFFFF  }
0xa0: {  	_ =	shalt  }

// kernel: kernel.8.cloned.1.call-start
scs
__scs_entry_jumppad:
0x0: {  	(pc) =	sbr.rel $0x88, $3  }
0x1: {  	(tag) =	ssettag $0x0;
	lr =	simm.s32 $0x1  }
0x2: {  	[smem:$0x3F9B] =	sst lr;
	_ =	strace $0xD0000000  }
0x3: {  	_ = 	snop  }
0x4: {  	_ = 	snop  }
0x5: {  	_ = 	snop  }
0x6: {  	_ = 	snop  }
0x7: {  	_ = 	snop  }
__scs_overlays_trampoline_lowered:
0x8: {  	[smem:$0x3FAA] =	sst s0  }
0x9: {  	[smem:$0x3FAB] =	sst s1  }
0xa: {  	[smem:$0x3FAC] =	sst s2  }
0xb: {  	[smem:$0x3FAD] =	sst s3  }
0xc: {  	[smem:$0x3FAE] =	sst s4  }
0xd: {  	[smem:$0x3FAF] =	sst s5  }
0xe: {  	[smem:$0x3FB0] =	sst s6  }
0xf: {  	[smem:$0x3FB1] =	sst s7  }
0x10: {  	[smem:$0x3FB2] =	sst s8  }
0x11: {  	[smem:$0x3FB3] =	sst s9;
	s0 =	simm.s32 @!p0 $0x0  }
0x12: {  	s1 =	sld [smem:$0x3F99];
	s0 =	simm.s32 @p0 $0x1  }
0x13: {  	[smem:$0x3FB4] =	sst s0;
	s0 =	simm.s32 @!p1 $0x0  }
0x14: {  	s2 =	sld [smem:$0x3F98];
	s0 =	simm.s32 @p1 $0x1  }
0x15: {  	[smem:$0x3FB5] =	sst s0;
	s0 =	simm.s32 @!p2 $0x0  }
0x16: {  	s3 =	sld [smem:$0x3FDB];
	s0 =	simm.s32 @p2 $0x1  }
0x17: {  	s4 =	simm.s32 $0x1BF5;
	[smem:$0x3FB7] =	sst s0  }
0x18: {  	s0 =	sld [smem:$0x3F9A];
	_ =	swait.ge [sflag:s4], $0x0  }
0x19: {  	s7 =	sld [smem:$0x3F9B]  }
0x1a: {  	s8 =	sadd.s32 $0xFFFFE003, lr  }
0x1b: {  	s9 =	sadd.s32 $0xFFFFFEF7, lr;
	s5 =	simm.s32 $0xFFFFFFFF;
	p2 =	slt.u32 s8, $0xFFFFF086  }
0x1c: {  	p1 =	slt.u32 s9, $0xF7A;
	s5 =	simm.s32 @!p2 $0x0  }
0x1d: {  	s5 =	simm.s32 @p1 $0x1;
	p0 =	seq.s32 s7, s2  }
0x1e: {  	s7 =	smul.u32 @!p0 $0xF7A, s2;
	p2 =	seq.s32 @!p0 s5, $0x0  }
0x1f: {  	s9 =	smul.u32 $0xF7A, s1;
	s8 =	simm.s32 @!p0 $0x1BF5;
	p2 =	por !p2, p0  }
0x20: {  	[sflag:s8] =	ssyncset.s32 @!p0 $0xFFFFF086;
	s6 =	sadd.s32 @!p0 s3, s7;
	s7 =	simm.s32 @!p0 $0x108  }
0x21: {  	s3 =	sadd.s32 s3, s9;
	s6 =	sadd.s32 @!p0 $0x88, s6;
	s7 =	simm.s32 @p2 $0x1082  }
0x22: {  	[simem:s7], [sflag:s8] =	dma.local @!p0 [hbm:s6], $0xF7A  }
0x23: {  	s9 =	sor.u32 $0xD0000000, s2;
	s6 =	simm.s32 $0x108;
	_ =	swait.ge @!p0 [sflag:s8], $0x0  }
0x24: {  	s3 =	sadd.s32 $0x88, s3;
	s6 =	simm.s32 @!p1 $0x1082;
	[sflag:s4] =	ssyncset.s32 $0xFFFFF086  }
0x25: {  	[simem:s6], [sflag:s4] =	dma.local [hbm:s3], $0xF7A  }
0x26: {  	[smem:$0x3F9B] =	sst s1;
	(tag) =	ssettag s2;
	_ =	strace s9  }
0x27: {  	s1 =	sld [smem:$0x3FAB]  }
0x28: {  	s2 =	sld [smem:$0x3FAC]  }
0x29: {  	s4 =	sld [smem:$0x3FAE]  }
0x2a: {  	p0 =	seq.s32 s5, $0x0;
	s5 =	sld [smem:$0x3FAF]  }
0x2b: {  	s6 =	sld [smem:$0x3FB0]  }
0x2c: {  	s7 =	sld [smem:$0x3FB1]  }
0x2d: {  	s3 =	simm.s32 $0x108;
	s8 =	sld [smem:$0x3FB2]  }
0x2e: {  	s3 =	simm.s32 @!p0 $0x1082;
	s9 =	sld [smem:$0x3FB3]  }
0x2f: {  	lr =	sadd.s32 s0, s3;
	s0 =	sld [smem:$0x3FAA]  }
0x30: {  	s3 =	sld [smem:$0x3FAD]  }
0x31: {  	[smem:$0x3FB6] =	sst s10  }
0x32: {  	s10 =	sld [smem:$0x3FB4];
	_ =	sdelay $0x3  }
0x33: {  	p0 =	seq.s32 s10, $0x1;
	s10 =	sld [smem:$0x3FB6];
	_ =	sdelay $0x3  }
0x34: {  	[smem:$0x3FB6] =	sst s10  }
0x35: {  	s10 =	sld [smem:$0x3FB5];
	_ =	sdelay $0x3  }
0x36: {  	p1 =	seq.s32 s10, $0x1;
	s10 =	sld [smem:$0x3FB6];
	_ =	sdelay $0x3  }
0x37: {  	[smem:$0x3FB6] =	sst s10  }
0x38: {  	s10 =	sld [smem:$0x3FB7]  }
0x39: {  	_ = 	snop;
	(pc) =	sbr.ind lr, $3  }
0x3a: {  	_ = 	snop  }
0x3b: {  	_ = 	snop  }
0x3c: {  	p2 =	seq.s32 s10, $0x1;
	s10 =	sld [smem:$0x3FB6]  }
0x3d: {  	_ =	shalt  }
0x3e: {  	_ =	shalt  }
0x3f: {  	_ =	shalt  }
0x40: {  	_ =	shalt  }
0x41: {  	_ =	shalt  }
0x42: {  	_ =	shalt  }
0x43: {  	_ =	shalt  }
0x44: {  	_ =	shalt  }
0x45: {  	_ =	shalt  }
0x46: {  	_ =	shalt  }
0x47: {  	_ =	shalt  }
0x48: {  	_ =	shalt  }
0x49: {  	_ =	shalt  }
0x4a: {  	_ =	shalt  }
0x4b: {  	_ =	shalt  }
0x4c: {  	_ =	shalt  }
0x4d: {  	_ =	shalt  }
0x4e: {  	_ =	shalt  }
0x4f: {  	_ =	shalt  }
0x50: {  	_ =	shalt  }
0x51: {  	_ =	shalt  }
0x52: {  	_ =	shalt  }
0x53: {  	_ =	shalt  }
0x54: {  	_ =	shalt  }
0x55: {  	_ =	shalt  }
0x56: {  	_ =	shalt  }
0x57: {  	_ =	shalt  }
0x58: {  	_ =	shalt  }
0x59: {  	_ =	shalt  }
0x5a: {  	_ =	shalt  }
0x5b: {  	_ =	shalt  }
0x5c: {  	_ =	shalt  }
0x5d: {  	_ =	shalt  }
0x5e: {  	_ =	shalt  }
0x5f: {  	_ =	shalt  }
0x60: {  	_ =	shalt  }
0x61: {  	_ =	shalt  }
0x62: {  	_ =	shalt  }
0x63: {  	_ =	shalt  }
0x64: {  	_ =	shalt  }
0x65: {  	_ =	shalt  }
0x66: {  	_ =	shalt  }
0x67: {  	_ =	shalt  }
0x68: {  	_ =	shalt  }
0x69: {  	_ =	shalt  }
0x6a: {  	_ =	shalt  }
0x6b: {  	_ =	shalt  }
0x6c: {  	_ =	shalt  }
0x6d: {  	_ =	shalt  }
0x6e: {  	_ =	shalt  }
0x6f: {  	_ =	shalt  }
0x70: {  	_ =	shalt  }
0x71: {  	_ =	shalt  }
0x72: {  	_ =	shalt  }
0x73: {  	_ =	shalt  }
0x74: {  	_ =	shalt  }
0x75: {  	_ =	shalt  }
0x76: {  	_ =	shalt  }
0x77: {  	_ =	shalt  }
0x78: {  	_ =	shalt  }
0x79: {  	_ =	shalt  }
0x7a: {  	_ =	shalt  }
0x7b: {  	_ =	shalt  }
0x7c: {  	_ =	shalt  }
0x7d: {  	_ =	shalt  }
0x7e: {  	_ =	shalt  }
0x7f: {  	_ =	shalt  }
0x80: {  	_ =	shalt  }
0x81: {  	_ =	shalt  }
0x82: {  	_ =	shalt  }
0x83: {  	_ =	shalt  }
0x84: {  	_ =	shalt  }
0x85: {  	_ =	shalt  }
0x86: {  	_ =	shalt  }
0x87: {  	_ =	shalt  }
.Lfunc_end0:
.L_simem_size_0:
called_computation_lowered:
.L_overlay_start_0:
0x88: {  	s2 =	sld [smem:$0x3FD9]  }
0x89: {  	s3 =	sld [smem:$0x3FFE];
	_ =	sdelay $0x1  }
0x8a: {  	s1 =	srdreg.scid  }
0x8b: {  	s0 =	sand.u32 $0x1, s1  }
0x8c: {  	s17 =	sshll.u32 s0, $0xA;
	s2 =	sadd.s32 s3, s2  }
0x8d: {  	s2 =	sadd.s32 s2, s17  }
0x8e: {  	[smem:$0x3FC2] =	sst s2  }
0x8f: {  	_ = 	snop  }
0x90: {  	s2 =	sld [smem:$0x3FD0];
	(tm) =	ssettm $0x1  }
0x91: {  	s18 =	sld [smem:$0x3FFB];
	_ =	sdelay $0x3  }
0x92: {  	_ =	strace s18  }
0x93: {  	s3 =	sld [smem:$0x3FFC];
	_ =	sdelay $0x3  }
0x94: {  	_ =	strace s3  }
0x95: {  	s3 =	sld [smem:$0x3FFD];
	_ =	sdelay $0x3  }
0x96: {  	_ =	strace s3  }
0x97: {  	_ =	strace $0x8FFFFFFF  }
0x98: {  	s19 =	sld [smem:$0x3FDB];
	_ =	sdelay $0x1  }
0x99: {  	s4 =	simm.s32 $_scs_section_size  }
0x9a: {  	s5 =	simm.s32 $_size__tile_overlayer_lowered;
	s6 =	simm.s32 $_tile_overlayer_lowered  }
0x9b: {  	s22 =	simm.s32 $0x1BFF;
	s21 =	sshll.u32 s6, $0x1;
	s3 =	sadd.s32 s4, s19  }
0x9c: {  	s7 =	simm.s32 $0x0;
	s20 =	sshll.u32 s5, $0x1;
	s5 =	sadd.s32 s21, s3  }
0x9d: {  	[timem:s7], [sflag:s22] =	dma.local [hbm:s5], s20  }
0x9e: {  	_ =	swait.ge [sflag:s22], s20  }
0x9f: {  	s4 =	ssub.s32 $0x0, s20;
	[sflag:s22] =	ssyncset.done $0x0  }
0xa0: {  	[sflag:s22] =	ssyncadd.s32 s4;
	_ =	sdelay $0x1  }
0xa1: {  	s23 =	simm.s32 $0x1B8B  }
0xa2: {  	_ =	swait.ge [sflag:s23], $0x1  }
0xa3: {  	[sflag:s23] =	ssyncset.done $0x0  }
0xa4: {  	s25 =	simm.s32 $0x1B8E;
	s24 =	sld [smem:$0x3FFE];
	[sflag:s23] =	ssyncadd.s32 $0xFFFFFFFF  }
0xa5: {  	s26 =	simm.s32 $execute0_lowered;
	[smem:$0x3FD2] =	sst s25  }
0xa6: {  	s5 =	sshll.u32 s26, $0x1;
	_ =	strace $0x80000046;
	[dreg:$0x1] =	wrdreg $0xFFFFFFFF  }
0xa7: {  	s28 =	simm.s32 $_size_execute0_lowered;
	s3 =	sadd.s32 s3, s5;
	[dreg:$0x0] =	wrdreg $0x0  }
0xa8: {  	s5 =	sshll.u32 s28, $0x1;
	[dreg:$0x2] =	wrdreg s3  }
0xa9: {  	[dreg:$0x3] =	wrdreg s5  }
0xaa: {  	[dreg:$0x4] =	wrdreg $0xC0  }
0xab: {  	_ =	task [dreg:s7], $0x5FFFF  }
0xac: {  	[dreg:$0x1] =	wrdreg $0xFFFFFFFF  }
0xad: {  	[dreg:$0x0] =	wrdreg $0x60  }
0xae: {  	[dreg:$0x2] =	wrdreg s2  }
0xaf: {  	[dreg:$0x3] =	wrdreg s24  }
0xb0: {  	[dreg:$0x4] =	wrdreg $0x70000  }
0xb1: {  	[dreg:$0x5] =	wrdreg $0x9  }
0xb2: {  	_ =	task.clear_ibuf [dreg:s7], $0x6FFFF;
	_ =	strace $0x90000046  }
0xb3: {  	s29 =	simm.s32 $0x9;
	_ =	strace $0x80000048  }
0xb4: {  	_ =	swait.ge [sflag:s29], $0x1  }
0xb5: {  	[sflag:s29] =	ssyncadd.s32 $0xFFFFFFFF  }
0xb6: {  	_ =	strace $0x90000048  }
0xb7: {  	_ =	sfence  }
0xb8: {  	s30 =	sld [smem:$0x0];
	_ =	sdelay $0x2  }
0xb9: {  	s31 =	sshll.u32 s1, $0xD;
	s1 =	sshrl.u32 s1, $0x2  }
0xba: {  	s3 =	sand.u32 $0x4000, s31;
	s1 =	sadd.s32 s1, s30  }
0xbb: {  	s0 =	sor.u32 s3, s0;
	s1 =	sshll.u32 s1, $0x11  }
0xbc: {  	s0 =	sor.u32 s1, s0  }
0xbd: {  	s0 =	sadd.s32 $0x8F2B, s0  }
0xbe: {  	[sflag:s0] =	ssyncadd.remote.s32 $0x1  }
0xbf: {  	_ =	sfence.sel $0xFFFF  }
0xc0: {  	[dreg:$0x0] =	wrdreg $0xFFFFFFFF;
	(pc) =	sbr.abs _section_cstart, $3  }
0xc1: {  	[dreg:$0x1] =	wrdreg $0xFFFFFFFF  }
0xc2: {  	_ =	task.clear_ibuf [dreg:s7], $0x2FFFF;
	_ =	strace $0x9FFFFFFF  }
0xc3: {  	(tm) =	ssettm $0x7FFFFFFF  }
tec
execute0_lowered:
.L_overlay_start_1:
0x0: {  	(tag) =	ssettag $0x1  }
0x1: {  	s4 =	rddreg [dreg:$0x0]  }
0x2: {  	s5 =	rddreg [dreg:$0x1]  }
0x3: {  	s1 =	rddreg [dreg:$0x2]  }
0x4: {  	s2 =	srdreg.scid;
	s0 =	rddreg [dreg:$0x3];
	s3 =	simm.s32 $0x0  }
0x5: {  	s15 =	simm.s32 $0x4800;
	s16 =	simm.s32 $0x1;
	s6 =	sand.u32 $0x1, s2  }
0x6: {  	s17 =	simm.s32 $0x50;
	s2 =	stileid.u32;
	s7 =	smul.u32 $0x27800, s6  }
0x7: {  	s18 =	simm.s32 $0x2000;
	[smem:$0x7FF] =	sst s3;
	s8 =	smul.u32 $0x2780, s2  }
0x8: {  	_ =	strace $0x80000047;
	s29 =	ssub.s32 $0x2, s6;
	s9 =	smul.u32 $0x4F000, s2  }
0x9: {  	s6 =	sshll.u32 s6, $0xA;
	s10 =	sshll.u32 s2, $0xB;
	s19 =	sshll.u32 s2, $0x6  }
0xa: {  	s30 =	sshrl.u32 s29, $0x1;
	s4 =	sadd.s32 s4, s6;
	s19 =	sor.u32 $0x1C01, s19  }
0xb: {  	s7 =	sadd.s32 s8, s7;
	s31 =	sshrl.u32 s9, $0x2;
	s8 =	ssub.s32 s29, s30  }
0xc: {  	s4 =	sadd.s32 s10, s4;
	s7 =	sadd.s32 s7, s5;
	s5 =	sadd.s32 s31, s1  }
0xd: {  	s6 =	sadd.s32 $0x2200, s7;
	s7 =	smax.u32 s8, $0x1;
	s8 =	sadd.s32 $0x2780, s5  }
0xe: {  	s9 =	sadd.s32 $0x4F00, s5;
	s10 =	sadd.s32 $0x7680, s5;
	s11 =	sadd.s32 $0x9E00, s5  }
0xf: {  	v0 =	vimm.f32 $1.000000000e+00;
	v1 =	vimm.f32 $0.0e+00;
	s12 =	sadd.s32 $0xC580, s5;
	s13 =	sadd.s32 $0xED00, s5;
	s14 =	sadd.s32 $0x11480, s5  }
.LBB2_1:
0x10: {  	s20 =	simm.s32 $0x0;
	s21 =	simm.s32 $0x200  }
.LBB2_2:
0x11: {  	p0 =	sne.s32 s21, $0x9E00;
	[tilespmem:s20+$0x2070] =	vst v0  }
0x12: {  	[tilespmem:s20+$0x2000] =	vst v0  }
0x13: {  	[tilespmem:s20+$0x2010] =	vst v0  }
.Ltmp0:
0x14: {  	[tilespmem:s20+$0x2020] =	vst v0;
	(pc) =	sbr.rel @p0 .LBB2_2-.Ltmp0, $4  }
0x15: {  	[tilespmem:s20+$0x2030] =	vst v0  }
0x16: {  	[tilespmem:s20+$0x2040] =	vst v0  }
0x17: {  	[tilespmem:s20+$0x2050] =	vst v0  }
0x18: {  	[tilespmem:s20+$0x2060] =	vst v0;
	s20 =	sshra.s32 s21, $0x2;
	s21 =	sadd.s32 $0x200, s21  }
0x19: {  	[tilespmem:s20+$0x2070] =	vst v0  }
0x1a: {  	[tilespmem:s20+$0x2000] =	vst v0  }
0x1b: {  	[tilespmem:s20+$0x2010] =	vst v0  }
0x1c: {  	[tilespmem:s20+$0x2020] =	vst v0  }
0x1d: {  	[tilespmem:s20+$0x2030] =	vst v0  }
0x1e: {  	[tilespmem:s20+$0x2040] =	vst v0  }
0x1f: {  	[tilespmem:s20+$0x2050] =	vst v0  }
0x20: {  	[tilespmem:s20+$0x2060] =	vst v0;
	s20 =	simm.s32 $0x0;
	s21 =	simm.s32 $0x200  }
.LBB2_4:
0x21: {  	p0 =	sne.s32 s21, $0x9C00;
	[tilespmem:s20+$0x4870] =	vst v1  }
0x22: {  	[tilespmem:s20+$0x4800] =	vst v1  }
0x23: {  	[tilespmem:s20+$0x4810] =	vst v1  }
.Ltmp1:
0x24: {  	[tilespmem:s20+$0x4820] =	vst v1;
	(pc) =	sbr.rel @p0 .LBB2_4-.Ltmp1, $4  }
0x25: {  	[tilespmem:s20+$0x4830] =	vst v1  }
0x26: {  	[tilespmem:s20+$0x4840] =	vst v1  }
0x27: {  	[tilespmem:s20+$0x4850] =	vst v1  }
0x28: {  	[tilespmem:s20+$0x4860] =	vst v1;
	s20 =	sshra.s32 s21, $0x2;
	s21 =	sadd.s32 $0x200, s21  }
0x29: {  	[tilespmem:s20+$0x4870] =	vst v1  }
0x2a: {  	[tilespmem:s20+$0x4800] =	vst v1  }
0x2b: {  	[tilespmem:s20+$0x4810] =	vst v1  }
0x2c: {  	[tilespmem:s20+$0x4820] =	vst v1  }
0x2d: {  	[tilespmem:s20+$0x4830] =	vst v1  }
0x2e: {  	[tilespmem:s20+$0x4840] =	vst v1  }
0x2f: {  	[tilespmem:s20+$0x4850] =	vst v1  }
0x30: {  	[tilespmem:s20+$0x4860] =	vst v1  }
0x31: {  	[spmem:s5] =	stream.linear.scatter [tilespmem:s15], [sflag:$0x1], $0x2780, $0x38;
	[tilespmem:$0x1AC00] =	vst v63  }
0x32: {  	_ =	swait.ge [sflag:s16], $0x2780  }
0x33: {  	[sflag:s16] =	ssyncset.done $0x0  }
0x34: {  	[sflag:s16] =	ssyncadd.s32 $0xFFFFD880  }
0x35: {  	[spmem:s8] =	stream.linear.scatter [tilespmem:s15], [sflag:$0x1], $0x2780, $0x38;
	[tilespmem:$0x1AC00] =	vst v63  }
0x36: {  	_ =	swait.ge [sflag:s16], $0x2780  }
0x37: {  	[sflag:s16] =	ssyncset.done $0x0  }
0x38: {  	[sflag:s16] =	ssyncadd.s32 $0xFFFFD880  }
0x39: {  	[spmem:s9] =	stream.linear.scatter [tilespmem:s15], [sflag:$0x1], $0x2780, $0x38;
	[tilespmem:$0x1AC00] =	vst v63  }
0x3a: {  	_ =	swait.ge [sflag:s16], $0x2780  }
0x3b: {  	[sflag:s16] =	ssyncset.done $0x0  }
0x3c: {  	[sflag:s16] =	ssyncadd.s32 $0xFFFFD880  }
0x3d: {  	[spmem:s10] =	stream.linear.scatter [tilespmem:s15], [sflag:$0x1], $0x2780, $0x38;
	[tilespmem:$0x1AC00] =	vst v63  }
0x3e: {  	_ =	swait.ge [sflag:s16], $0x2780  }
0x3f: {  	[sflag:s16] =	ssyncset.done $0x0  }
0x40: {  	[sflag:s16] =	ssyncadd.s32 $0xFFFFD880  }
0x41: {  	[spmem:s11] =	stream.linear.scatter [tilespmem:s15], [sflag:$0x1], $0x2780, $0x38;
	[tilespmem:$0x1AC00] =	vst v63  }
0x42: {  	_ =	swait.ge [sflag:s16], $0x2780  }
0x43: {  	[sflag:s16] =	ssyncset.done $0x0  }
0x44: {  	[sflag:s16] =	ssyncadd.s32 $0xFFFFD880  }
0x45: {  	[spmem:s12] =	stream.linear.scatter [tilespmem:s15], [sflag:$0x1], $0x2780, $0x38;
	[tilespmem:$0x1AC00] =	vst v63  }
0x46: {  	_ =	swait.ge [sflag:s16], $0x2780  }
0x47: {  	[sflag:s16] =	ssyncset.done $0x0  }
0x48: {  	[sflag:s16] =	ssyncadd.s32 $0xFFFFD880  }
0x49: {  	[spmem:s13] =	stream.linear.scatter [tilespmem:s15], [sflag:$0x1], $0x2780, $0x38;
	[tilespmem:$0x1AC00] =	vst v63  }
0x4a: {  	_ =	swait.ge [sflag:s16], $0x2780  }
0x4b: {  	[sflag:s16] =	ssyncset.done $0x0  }
0x4c: {  	[sflag:s16] =	ssyncadd.s32 $0xFFFFD880  }
0x4d: {  	[spmem:s14] =	stream.linear.scatter [tilespmem:s15], [sflag:$0x1], $0x2780, $0x38;
	[tilespmem:$0x1AC00] =	vst v63  }
0x4e: {  	_ =	swait.ge [sflag:s16], $0x2780  }
0x4f: {  	[sflag:s16] =	ssyncset.done $0x0  }
0x50: {  	s30 =	simm.s32 $0x0;
	[sflag:s16] =	ssyncadd.s32 $0xFFFFD880  }
0x51: {  	[tilespmem:s30], [sflag:$0x1] =	stream.linear.gather [hbm4b:s4+s30], $0x2000, $0x38;
	[tilespmem:$0x1AC00] =	vst v63  }
0x52: {  	_ =	swait.ge [sflag:s16], $0x2000  }
0x53: {  	[sflag:s16] =	ssyncset.done $0x0  }
0x54: {  	[sflag:s16] =	ssyncadd.s32 $0xFFFFE000  }
0x55: {  	s31 =	simm.s32 $0x0;
	[bflag:$0x0] =	sbarrier.arrive $0xFFFF  }
0x56: {  	[spmem:s1] =	stream.indirect.scatter.add.f32 [tilespmem:s18], [sflag:$0x1], $0x80, s31, s17, $0xb8;
	[tilespmem:$0x1AC00] =	vst v63  }
0x57: {  	_ =	swait.ge [sflag:s16], $0x2800  }
0x58: {  	s20 =	simm.s32 $0x200;
	[sflag:s16] =	ssyncset.done $0x0  }
.LBB2_6:
0x59: {  	s21 =	sshra.s32 s20, $0x2;
	[sflag:s16] =	ssyncadd.s32 $0xFFFFD800;
	p0 =	sne.s32 s20, $0x7E00  }
0x5a: {  	[spmem:s1] =	stream.indirect.scatter.add.f32 [tilespmem:s18], [sflag:$0x1], $0x80, s21, s17, $0xb8;
	[tilespmem:$0x1AC00] =	vst v63  }
.Ltmp2:
0x5b: {  	_ = 	snop;
	(pc) =	sbr.rel @p0 .LBB2_6-.Ltmp2, $4  }
0x5c: {  	_ = 	snop  }
0x5d: {  	s20 =	sadd.s32 $0x200, s20  }
0x5e: {  	_ =	swait.ge [sflag:s16], $0x2800  }
0x5f: {  	[sflag:s16] =	ssyncset.done $0x0  }
0x60: {  	s3 =	sadd.s32 $0x1, s3  }
0x61: {  	[sflag:s16] =	ssyncadd.s32 $0xFFFFD800;
	p0 =	sne.s32 s3, s7  }
.Ltmp3:
0x62: {  	s20 =	sshrl.u32 s5, $0x3;
	[bflag:$0x0] =	sbarrier.arrive $0xFFFF;
	(pc) =	sbr.rel @p0 .LBB2_1-.Ltmp3, $4  }
0x63: {  	[hbm:s6], [sflag:s19] =	dma.local [spmem:s20], $0x2780  }
0x64: {  	_ =	swait.ge [sflag:s16], $0x2780  }
0x65: {  	[sflag:s16] =	ssyncset.done $0x0  }
0x66: {  	[sflag:s16] =	ssyncadd.s32 $0xFFFFD880  }
0x67: {  	_ =	sfence.sel $0x180000  }
0x68: {  	[bflag:$0x0] =	sbarrier.arrive $0xFFFF  }
0x69: {  	p0 =	sne.s32 s2, $0x0;
	_ =	strace $0x90000047  }
0x6a: {  	s0 =	sadd.s32 @!p0 $0x100000, s0;
	[bflag:$0x2] =	sbarrier.arrive $0xFFFF  }
0x6b: {  	[sflag:s0] =	ssyncadd.tile.s32 @!p0 $0x1;
	_ =	shalt  }
.Lfunc_end2:
_tile_overlayer_lowered:
.L_overlay_start_2:
0x6c: {  	(tag) =	ssettag $0x2  }
0x6d: {  	s0 =	rddreg [dreg:$0x0];
	s2 =	stileid.u32  }
0x6e: {  	s1 =	rddreg [dreg:$0x1];
	p0 =	sne.s32 s2, $0x0  }
0x6f: {  	s3 =	rddreg [dreg:$0x2];
	[bflag:$0x3] =	sbarrier.arrive $0xFFFF;
	s2 =	simm.s32 @!p0 $0x1C01  }
0x70: {  	[timem:s3], [sflag:s2] =	dma.local @!p0 [hbm:s0], s1  }
0x71: {  	s0 =	simm.s32 @!p0 $0x1  }
0x72: {  	_ =	swait.ge @!p0 [sflag:s0], s1  }
0x73: {  	s1 =	ssub.s32 @!p0 $0x0, s1;
	[sflag:s0] =	ssyncset.done @!p0 $0x0  }
0x74: {  	[sflag:s0] =	ssyncadd.s32 @!p0 s1  }
0x75: {  	[bflag:$0x3] =	sbarrier.arrive $0xFFFF  }
0x76: {  	_ =	shalt  }

</sc_bundles>
